<compile_context>
chip_gen: v7x
topology: tpu7x:2x2x1
jax: 0.10.2.dev20260603
libtpu: 0.0.44.dev20260713+nightly
codegen_flags: <defaults>
</compile_context>

<pallas_src>
import functools

import jax
import jax.numpy as jnp
from jax import lax
from jax.experimental import pallas as pl
from jax.experimental.pallas import tpu as pltpu
from jax.experimental.pallas import tpu_sc as plsc

VOCAB = 1000000
DIM = 64

NC = 2
NS = 16
NW = NC * NS

B_TOTAL = 4096 * 200
B_PER_W = B_TOTAL // NW
CHUNK = 128
NCHUNK = B_PER_W // CHUNK
NBUF = 8
LOOK = NBUF // 2


def _make_kernel():
  mesh = plsc.VectorSubcoreMesh(core_axis_name="c", subcore_axis_name="s")

  @functools.partial(
      pl.kernel,
      mesh=mesh,
      compiler_params=pltpu.CompilerParams(use_tc_tiling_on_sc=False),
      out_type=jax.ShapeDtypeStruct((NW, NCHUNK, CHUNK, DIM), jnp.float32),
      scratch_types=[
          pltpu.VMEM((NCHUNK, CHUNK), jnp.int32),
          pltpu.VMEM((NBUF, CHUNK, DIM), jnp.float32),
          pltpu.SemaphoreType.DMA((NBUF,)),
          pltpu.SemaphoreType.DMA((NBUF,)),
      ],
  )
  def gather_kernel(idx_hbm, table_hbm, out_hbm, idx_v, bufs, gsem, ssem):
    wid = lax.axis_index("s") * NC + lax.axis_index("c")

    pltpu.sync_copy(idx_hbm.at[wid], idx_v)

    def issue_gather(b, c):
      pltpu.async_copy(table_hbm.at[idx_v.at[c]], bufs.at[b], gsem.at[b])

    def wait_gather(b):
      pltpu.make_async_copy(
          table_hbm.at[idx_v.at[0]], bufs.at[b], gsem.at[b]).wait()

    def issue_scatter(b, c):
      pltpu.async_copy(bufs.at[b], out_hbm.at[wid, c], ssem.at[b])

    def wait_scatter(b):
      pltpu.make_async_copy(
          bufs.at[b], out_hbm.at[wid, 0], ssem.at[b]).wait()


    def step(c, b):
      b2 = (b + LOOK) % NBUF
      wait_scatter(b2)
      issue_gather(b2, c + LOOK)
      wait_gather(b)
      issue_scatter(b, c)

    for c in range(LOOK):
      issue_gather(c % NBUF, c)
    for c in range(LOOK, NBUF):
      issue_gather(c % NBUF, c)
      wait_gather((c - LOOK) % NBUF)
      issue_scatter((c - LOOK) % NBUF, c - LOOK)

    def body(i, _):
      base = LOOK + (i - 1) * NBUF
      for j in range(NBUF):
        c = base + j
        step(c, (LOOK + j) % NBUF)
      return _

    n_steady = (NCHUNK - NBUF)
    assert n_steady % NBUF == 0
    lax.fori_loop(1, n_steady // NBUF + 1, body, 0, unroll=False)

    for c in range(NCHUNK - LOOK, NCHUNK):
      b = c % NBUF
      b2 = (b + LOOK) % NBUF
      wait_scatter(b2)
      wait_gather(b)
      issue_scatter(b, c)
    for c in range(NCHUNK - LOOK, NCHUNK):
      wait_scatter(c % NBUF)

  return gather_kernel


_kernel = _make_kernel()


@jax.jit
def kernel(inputs, embed):
  idx = inputs.astype(jnp.int32).reshape(NW, NCHUNK, CHUNK)
  out = _kernel(idx, embed)
  return out.reshape(inputs.shape[0], inputs.shape[1], DIM)

# --- scband reference (transcript-rebuilt; emitter-appended) ---
"""Pipeline reference for scband-tiny-token-model-1073741824513 (READ-ONLY COPY).

The authoritative reference and input builder live on the scoring server;
editing this copy changes nothing except your own understanding.
"""

import jax, jax.numpy as jnp
import numpy as np

VOCAB = 1000000
DIM = 64


def setup_inputs(seed: int = 0) -> dict:
    key = jax.random.key(seed)
    k_idx, k_emb = jax.random.split(key)
    inputs = jax.random.randint(k_idx, (4096, 200), 0, VOCAB, dtype=jnp.int64 if jax.config.jax_enable_x64 else jnp.int32)
    embed = jax.random.normal(k_emb, (VOCAB, DIM), dtype=jnp.float32) * 0.02
    return {"inputs": inputs, "embed": embed}


def reference(inputs, embed):
    # _TinyTokenModel.encode: h = self.embed(inputs.to(torch.long))
    # (final_norm and lm_head are not used in encode)
    h = jnp.take(embed, inputs, axis=0)
    return h

if __name__ == "__main__":
    import jax
    _d = setup_inputs()
    print(jax.jit(kernel)(*tuple(_d.values())))

</pallas_src>

<mosaic_0001>
#map = affine_map<(d0, d1) -> (0, 0, 0)>
#map1 = affine_map<(d0, d1) -> (0, 0)>
#map2 = affine_map<(d0, d1) -> (0, 0, 0, 0)>
module attributes {stable_mosaic.version = 14 : i64} {
  func.func @gather_kernel(%arg0: i32, %arg1: i32, %arg2: memref<32x200x128xi32, #tpu.memory_space<hbm>>, %arg3: memref<1000000x64xf32, #tpu.memory_space<hbm>>, %arg4: memref<32x200x128x64xf32, #tpu.memory_space<hbm>>, %arg5: memref<200x128xi32, #tpu.memory_space<vmem>>, %arg6: memref<8x128x64xf32, #tpu.memory_space<vmem>>, %arg7: memref<8x!tpu.dma_semaphore, #tpu.memory_space<semaphore_mem>>, %arg8: memref<8x!tpu.dma_semaphore, #tpu.memory_space<semaphore_mem>>) attributes {dimension_semantics = [#tpu.dimension_semantics<core_parallel>, #tpu.dimension_semantics<subcore_parallel>], iteration_bounds = array<i64: 2, 16>, scalar_prefetch = 0 : i64, scratch_operands = 4 : i64, tpu.core_type = #tpu.core_type<sc_vector_subcore>, window_params = [{transform_indices = #map}, {transform_indices = #map1}, {transform_indices = #map2}]} {
    %mul3A = arith.constant 2 : i32
    %mul3A_0 = arith.muli %arg1, %mul3A : i32
    %add3A = arith.addi %mul3A_0, %arg0 : i32
    "tpu.region"() ({
      %run_scoped3A = tpu.sem_alloc : memref<!tpu.dma_semaphore, #tpu.memory_space<semaphore_mem>>
      %dma_start3A_580 = arith.constant 0 : i32
      %dma_start3A_581 = arith.constant 0 : i32
      %dma_start3A_582 = tpu.memref_slice %arg2[%add3A, %dma_start3A_580, %dma_start3A_581] : memref<32x200x128xi32, #tpu.memory_space<hbm>> -> memref<1x200x128xi32, #tpu.memory_space<hbm>>
      %dma_start3A_583 = tpu.memref_squeeze %dma_start3A_582 : memref<1x200x128xi32, #tpu.memory_space<hbm>> -> memref<200x128xi32, #tpu.memory_space<hbm>>
      %dma_start3A_584 = arith.constant 0 : i32
      %dma_start3A_585 = arith.constant 0 : i32
      %dma_start3A_586 = tpu.memref_slice %arg2[%add3A, %dma_start3A_584, %dma_start3A_585] : memref<32x200x128xi32, #tpu.memory_space<hbm>> -> memref<1x200x128xi32, #tpu.memory_space<hbm>>
      %dma_start3A_587 = tpu.memref_squeeze %dma_start3A_586 : memref<1x200x128xi32, #tpu.memory_space<hbm>> -> memref<200x128xi32, #tpu.memory_space<hbm>>
      tpu.enqueue_dma source(%dma_start3A_587 : memref<200x128xi32, #tpu.memory_space<hbm>>) target(%arg5 : memref<200x128xi32, #tpu.memory_space<vmem>>) target_semaphore(%run_scoped3A : memref<!tpu.dma_semaphore, #tpu.memory_space<semaphore_mem>>)
      %dma_wait3A_588 = arith.constant 0 : i32
      %dma_wait3A_589 = arith.constant 0 : i32
      %dma_wait3A_590 = tpu.memref_slice %arg2[%add3A, %dma_wait3A_588, %dma_wait3A_589] : memref<32x200x128xi32, #tpu.memory_space<hbm>> -> memref<1x200x128xi32, #tpu.memory_space<hbm>>
      %dma_wait3A_591 = tpu.memref_squeeze %dma_wait3A_590 : memref<1x200x128xi32, #tpu.memory_space<hbm>> -> memref<200x128xi32, #tpu.memory_space<hbm>>
      %dma_wait3A_592 = arith.constant 0 : i32
      %dma_wait3A_593 = arith.constant 0 : i32
      %dma_wait3A_594 = tpu.memref_slice %arg2[%add3A, %dma_wait3A_592, %dma_wait3A_593] : memref<32x200x128xi32, #tpu.memory_space<hbm>> -> memref<1x200x128xi32, #tpu.memory_space<hbm>>
      %dma_wait3A_595 = tpu.memref_squeeze %dma_wait3A_594 : memref<1x200x128xi32, #tpu.memory_space<hbm>> -> memref<200x128xi32, #tpu.memory_space<hbm>>
      tpu.wait_dma2 semaphore(%run_scoped3A : memref<!tpu.dma_semaphore, #tpu.memory_space<semaphore_mem>>) src(%dma_wait3A_595 : memref<200x128xi32, #tpu.memory_space<hbm>>) dst(%arg5 : memref<200x128xi32, #tpu.memory_space<vmem>>)
      tpu.yield
    }) : () -> ()
    %dma_start3A = arith.constant 0 : i32
    %dma_start3A_1 = arith.constant 0 : i32
    %dma_start3A_2 = arith.constant 0 : i32
    %dma_start3A_3 = arith.constant 0 : i32
    %dma_start3A_4 = arith.constant 0 : i32
    %dma_start3A_5 = tpu.memref_slice %arg6[%dma_start3A_1, %dma_start3A_3, %dma_start3A_4] : memref<8x128x64xf32, #tpu.memory_space<vmem>> -> memref<1x128x64xf32, #tpu.memory_space<vmem>>
    %dma_start3A_6 = tpu.memref_squeeze %dma_start3A_5 : memref<1x128x64xf32, #tpu.memory_space<vmem>> -> memref<128x64xf32, #tpu.memory_space<vmem>>
    %dma_start3A_7 = arith.constant 0 : i32
    %dma_start3A_8 = tpu.memref_slice %arg5[%dma_start3A, %dma_start3A_7] : memref<200x128xi32, #tpu.memory_space<vmem>> -> memref<1x128xi32, #tpu.memory_space<vmem>>
    %dma_start3A_9 = tpu.memref_squeeze %dma_start3A_8 : memref<1x128xi32, #tpu.memory_space<vmem>> -> memref<128xi32, #tpu.memory_space<vmem>>
    %dma_start3A_10 = arith.constant 0 : i32
    %dma_start3A_11 = arith.constant 0 : i32
    %dma_start3A_12 = tpu.memref_slice %arg3[%dma_start3A_10, %dma_start3A_11] : memref<1000000x64xf32, #tpu.memory_space<hbm>> -> memref<1000000x64xf32, #tpu.memory_space<hbm>>
    %dma_start3A_13 = tpu.memref_slice %arg7[%dma_start3A_2] : memref<8x!tpu.dma_semaphore, #tpu.memory_space<semaphore_mem>> -> memref<1x!tpu.dma_semaphore, #tpu.memory_space<semaphore_mem>>
    %dma_start3A_14 = tpu.memref_squeeze %dma_start3A_13 : memref<1x!tpu.dma_semaphore, #tpu.memory_space<semaphore_mem>> -> memref<!tpu.dma_semaphore, #tpu.memory_space<semaphore_mem>>
    tpu.enqueue_indirect_dma source(%dma_start3A_12 : memref<1000000x64xf32, #tpu.memory_space<hbm>>) target(%dma_start3A_6 : memref<128x64xf32, #tpu.memory_space<vmem>>) offsets(%dma_start3A_9 : memref<128xi32, #tpu.memory_space<vmem>>) semaphore(%dma_start3A_14 : memref<!tpu.dma_semaphore, #tpu.memory_space<semaphore_mem>>)
    %dma_start3A_15 = arith.constant 1 : i32
    %dma_start3A_16 = arith.constant 1 : i32
    %dma_start3A_17 = arith.constant 1 : i32
    %dma_start3A_18 = arith.constant 0 : i32
    %dma_start3A_19 = arith.constant 0 : i32
    %dma_start3A_20 = tpu.memref_slice %arg6[%dma_start3A_16, %dma_start3A_18, %dma_start3A_19] : memref<8x128x64xf32, #tpu.memory_space<vmem>> -> memref<1x128x64xf32, #tpu.memory_space<vmem>>
    %dma_start3A_21 = tpu.memref_squeeze %dma_start3A_20 : memref<1x128x64xf32, #tpu.memory_space<vmem>> -> memref<128x64xf32, #tpu.memory_space<vmem>>
    %dma_start3A_22 = arith.constant 0 : i32
    %dma_start3A_23 = tpu.memref_slice %arg5[%dma_start3A_15, %dma_start3A_22] : memref<200x128xi32, #tpu.memory_space<vmem>> -> memref<1x128xi32, #tpu.memory_space<vmem>>
    %dma_start3A_24 = tpu.memref_squeeze %dma_start3A_23 : memref<1x128xi32, #tpu.memory_space<vmem>> -> memref<128xi32, #tpu.memory_space<vmem>>
    %dma_start3A_25 = arith.constant 0 : i32
    %dma_start3A_26 = arith.constant 0 : i32
    %dma_start3A_27 = tpu.memref_slice %arg3[%dma_start3A_25, %dma_start3A_26] : memref<1000000x64xf32, #tpu.memory_space<hbm>> -> memref<1000000x64xf32, #tpu.memory_space<hbm>>
    %dma_start3A_28 = tpu.memref_slice %arg7[%dma_start3A_17] : memref<8x!tpu.dma_semaphore, #tpu.memory_space<semaphore_mem>> -> memref<1x!tpu.dma_semaphore, #tpu.memory_space<semaphore_mem>>
    %dma_start3A_29 = tpu.memref_squeeze %dma_start3A_28 : memref<1x!tpu.dma_semaphore, #tpu.memory_space<semaphore_mem>> -> memref<!tpu.dma_semaphore, #tpu.memory_space<semaphore_mem>>
    tpu.enqueue_indirect_dma source(%dma_start3A_27 : memref<1000000x64xf32, #tpu.memory_space<hbm>>) target(%dma_start3A_21 : memref<128x64xf32, #tpu.memory_space<vmem>>) offsets(%dma_start3A_24 : memref<128xi32, #tpu.memory_space<vmem>>) semaphore(%dma_start3A_29 : memref<!tpu.dma_semaphore, #tpu.memory_space<semaphore_mem>>)
    %dma_start3A_30 = arith.constant 2 : i32
    %dma_start3A_31 = arith.constant 2 : i32
    %dma_start3A_32 = arith.constant 2 : i32
    %dma_start3A_33 = arith.constant 0 : i32
    %dma_start3A_34 = arith.constant 0 : i32
    %dma_start3A_35 = tpu.memref_slice %arg6[%dma_start3A_31, %dma_start3A_33, %dma_start3A_34] : memref<8x128x64xf32, #tpu.memory_space<vmem>> -> memref<1x128x64xf32, #tpu.memory_space<vmem>>
    %dma_start3A_36 = tpu.memref_squeeze %dma_start3A_35 : memref<1x128x64xf32, #tpu.memory_space<vmem>> -> memref<128x64xf32, #tpu.memory_space<vmem>>
    %dma_start3A_37 = arith.constant 0 : i32
    %dma_start3A_38 = tpu.memref_slice %arg5[%dma_start3A_30, %dma_start3A_37] : memref<200x128xi32, #tpu.memory_space<vmem>> -> memref<1x128xi32, #tpu.memory_space<vmem>>
    %dma_start3A_39 = tpu.memref_squeeze %dma_start3A_38 : memref<1x128xi32, #tpu.memory_space<vmem>> -> memref<128xi32, #tpu.memory_space<vmem>>
    %dma_start3A_40 = arith.constant 0 : i32
    %dma_start3A_41 = arith.constant 0 : i32
    %dma_start3A_42 = tpu.memref_slice %arg3[%dma_start3A_40, %dma_start3A_41] : memref<1000000x64xf32, #tpu.memory_space<hbm>> -> memref<1000000x64xf32, #tpu.memory_space<hbm>>
    %dma_start3A_43 = tpu.memref_slice %arg7[%dma_start3A_32] : memref<8x!tpu.dma_semaphore, #tpu.memory_space<semaphore_mem>> -> memref<1x!tpu.dma_semaphore, #tpu.memory_space<semaphore_mem>>
    %dma_start3A_44 = tpu.memref_squeeze %dma_start3A_43 : memref<1x!tpu.dma_semaphore, #tpu.memory_space<semaphore_mem>> -> memref<!tpu.dma_semaphore, #tpu.memory_space<semaphore_mem>>
    tpu.enqueue_indirect_dma source(%dma_start3A_42 : memref<1000000x64xf32, #tpu.memory_space<hbm>>) target(%dma_start3A_36 : memref<128x64xf32, #tpu.memory_space<vmem>>) offsets(%dma_start3A_39 : memref<128xi32, #tpu.memory_space<vmem>>) semaphore(%dma_start3A_44 : memref<!tpu.dma_semaphore, #tpu.memory_space<semaphore_mem>>)
    %dma_start3A_45 = arith.constant 3 : i32
    %dma_start3A_46 = arith.constant 3 : i32
    %dma_start3A_47 = arith.constant 3 : i32
    %dma_start3A_48 = arith.constant 0 : i32
    %dma_start3A_49 = arith.constant 0 : i32
    %dma_start3A_50 = tpu.memref_slice %arg6[%dma_start3A_46, %dma_start3A_48, %dma_start3A_49] : memref<8x128x64xf32, #tpu.memory_space<vmem>> -> memref<1x128x64xf32, #tpu.memory_space<vmem>>
    %dma_start3A_51 = tpu.memref_squeeze %dma_start3A_50 : memref<1x128x64xf32, #tpu.memory_space<vmem>> -> memref<128x64xf32, #tpu.memory_space<vmem>>
    %dma_start3A_52 = arith.constant 0 : i32
    %dma_start3A_53 = tpu.memref_slice %arg5[%dma_start3A_45, %dma_start3A_52] : memref<200x128xi32, #tpu.memory_space<vmem>> -> memref<1x128xi32, #tpu.memory_space<vmem>>
    %dma_start3A_54 = tpu.memref_squeeze %dma_start3A_53 : memref<1x128xi32, #tpu.memory_space<vmem>> -> memref<128xi32, #tpu.memory_space<vmem>>
    %dma_start3A_55 = arith.constant 0 : i32
    %dma_start3A_56 = arith.constant 0 : i32
    %dma_start3A_57 = tpu.memref_slice %arg3[%dma_start3A_55, %dma_start3A_56] : memref<1000000x64xf32, #tpu.memory_space<hbm>> -> memref<1000000x64xf32, #tpu.memory_space<hbm>>
    %dma_start3A_58 = tpu.memref_slice %arg7[%dma_start3A_47] : memref<8x!tpu.dma_semaphore, #tpu.memory_space<semaphore_mem>> -> memref<1x!tpu.dma_semaphore, #tpu.memory_space<semaphore_mem>>
    %dma_start3A_59 = tpu.memref_squeeze %dma_start3A_58 : memref<1x!tpu.dma_semaphore, #tpu.memory_space<semaphore_mem>> -> memref<!tpu.dma_semaphore, #tpu.memory_space<semaphore_mem>>
    tpu.enqueue_indirect_dma source(%dma_start3A_57 : memref<1000000x64xf32, #tpu.memory_space<hbm>>) target(%dma_start3A_51 : memref<128x64xf32, #tpu.memory_space<vmem>>) offsets(%dma_start3A_54 : memref<128xi32, #tpu.memory_space<vmem>>) semaphore(%dma_start3A_59 : memref<!tpu.dma_semaphore, #tpu.memory_space<semaphore_mem>>)
    %dma_start3A_60 = arith.constant 4 : i32
    %dma_start3A_61 = arith.constant 4 : i32
    %dma_start3A_62 = arith.constant 4 : i32
    %dma_start3A_63 = arith.constant 0 : i32
    %dma_start3A_64 = arith.constant 0 : i32
    %dma_start3A_65 = tpu.memref_slice %arg6[%dma_start3A_61, %dma_start3A_63, %dma_start3A_64] : memref<8x128x64xf32, #tpu.memory_space<vmem>> -> memref<1x128x64xf32, #tpu.memory_space<vmem>>
    %dma_start3A_66 = tpu.memref_squeeze %dma_start3A_65 : memref<1x128x64xf32, #tpu.memory_space<vmem>> -> memref<128x64xf32, #tpu.memory_space<vmem>>
    %dma_start3A_67 = arith.constant 0 : i32
    %dma_start3A_68 = tpu.memref_slice %arg5[%dma_start3A_60, %dma_start3A_67] : memref<200x128xi32, #tpu.memory_space<vmem>> -> memref<1x128xi32, #tpu.memory_space<vmem>>
    %dma_start3A_69 = tpu.memref_squeeze %dma_start3A_68 : memref<1x128xi32, #tpu.memory_space<vmem>> -> memref<128xi32, #tpu.memory_space<vmem>>
    %dma_start3A_70 = arith.constant 0 : i32
    %dma_start3A_71 = arith.constant 0 : i32
    %dma_start3A_72 = tpu.memref_slice %arg3[%dma_start3A_70, %dma_start3A_71] : memref<1000000x64xf32, #tpu.memory_space<hbm>> -> memref<1000000x64xf32, #tpu.memory_space<hbm>>
    %dma_start3A_73 = tpu.memref_slice %arg7[%dma_start3A_62] : memref<8x!tpu.dma_semaphore, #tpu.memory_space<semaphore_mem>> -> memref<1x!tpu.dma_semaphore, #tpu.memory_space<semaphore_mem>>
    %dma_start3A_74 = tpu.memref_squeeze %dma_start3A_73 : memref<1x!tpu.dma_semaphore, #tpu.memory_space<semaphore_mem>> -> memref<!tpu.dma_semaphore, #tpu.memory_space<semaphore_mem>>
    tpu.enqueue_indirect_dma source(%dma_start3A_72 : memref<1000000x64xf32, #tpu.memory_space<hbm>>) target(%dma_start3A_66 : memref<128x64xf32, #tpu.memory_space<vmem>>) offsets(%dma_start3A_69 : memref<128xi32, #tpu.memory_space<vmem>>) semaphore(%dma_start3A_74 : memref<!tpu.dma_semaphore, #tpu.memory_space<semaphore_mem>>)
    %dma_wait3A = arith.constant 0 : i32
    %dma_wait3A_75 = arith.constant 0 : i32
    %dma_wait3A_76 = arith.constant 0 : i32
    %dma_wait3A_77 = arith.constant 0 : i32
    %dma_wait3A_78 = arith.constant 0 : i32
    %dma_wait3A_79 = tpu.memref_slice %arg6[%dma_wait3A_75, %dma_wait3A_77, %dma_wait3A_78] : memref<8x128x64xf32, #tpu.memory_space<vmem>> -> memref<1x128x64xf32, #tpu.memory_space<vmem>>
    %dma_wait3A_80 = tpu.memref_squeeze %dma_wait3A_79 : memref<1x128x64xf32, #tpu.memory_space<vmem>> -> memref<128x64xf32, #tpu.memory_space<vmem>>
    %dma_wait3A_81 = arith.constant 0 : i32
    %dma_wait3A_82 = tpu.memref_slice %arg5[%dma_wait3A, %dma_wait3A_81] : memref<200x128xi32, #tpu.memory_space<vmem>> -> memref<1x128xi32, #tpu.memory_space<vmem>>
    %dma_wait3A_83 = tpu.memref_squeeze %dma_wait3A_82 : memref<1x128xi32, #tpu.memory_space<vmem>> -> memref<128xi32, #tpu.memory_space<vmem>>
    %dma_wait3A_84 = arith.constant 0 : i32
    %dma_wait3A_85 = arith.constant 0 : i32
    %dma_wait3A_86 = tpu.memref_slice %arg3[%dma_wait3A_84, %dma_wait3A_85] : memref<1000000x64xf32, #tpu.memory_space<hbm>> -> memref<1000000x64xf32, #tpu.memory_space<hbm>>
    %dma_wait3A_87 = tpu.memref_slice %arg7[%dma_wait3A_76] : memref<8x!tpu.dma_semaphore, #tpu.memory_space<semaphore_mem>> -> memref<1x!tpu.dma_semaphore, #tpu.memory_space<semaphore_mem>>
    %dma_wait3A_88 = tpu.memref_squeeze %dma_wait3A_87 : memref<1x!tpu.dma_semaphore, #tpu.memory_space<semaphore_mem>> -> memref<!tpu.dma_semaphore, #tpu.memory_space<semaphore_mem>>
    tpu.wait_indirect_dma semaphore(%dma_wait3A_88 : memref<!tpu.dma_semaphore, #tpu.memory_space<semaphore_mem>>) src(%dma_wait3A_86 : memref<1000000x64xf32, #tpu.memory_space<hbm>>) dst(%dma_wait3A_80 : memref<128x64xf32, #tpu.memory_space<vmem>>)
    %dma_start3A_89 = arith.constant 0 : i32
    %dma_start3A_90 = arith.constant 0 : i32
    %dma_start3A_91 = arith.constant 0 : i32
    %dma_start3A_92 = arith.constant 0 : i32
    %dma_start3A_93 = arith.constant 0 : i32
    %dma_start3A_94 = tpu.memref_slice %arg6[%dma_start3A_89, %dma_start3A_92, %dma_start3A_93] : memref<8x128x64xf32, #tpu.memory_space<vmem>> -> memref<1x128x64xf32, #tpu.memory_space<vmem>>
    %dma_start3A_95 = tpu.memref_squeeze %dma_start3A_94 : memref<1x128x64xf32, #tpu.memory_space<vmem>> -> memref<128x64xf32, #tpu.memory_space<vmem>>
    %dma_start3A_96 = arith.constant 0 : i32
    %dma_start3A_97 = arith.constant 0 : i32
    %dma_start3A_98 = tpu.memref_slice %arg4[%add3A, %dma_start3A_90, %dma_start3A_96, %dma_start3A_97] : memref<32x200x128x64xf32, #tpu.memory_space<hbm>> -> memref<1x1x128x64xf32, #tpu.memory_space<hbm>>
    %dma_start3A_99 = tpu.memref_squeeze %dma_start3A_98 : memref<1x1x128x64xf32, #tpu.memory_space<hbm>> -> memref<128x64xf32, #tpu.memory_space<hbm>>
    %dma_start3A_100 = tpu.memref_slice %arg8[%dma_start3A_91] : memref<8x!tpu.dma_semaphore, #tpu.memory_space<semaphore_mem>> -> memref<1x!tpu.dma_semaphore, #tpu.memory_space<semaphore_mem>>
    %dma_start3A_101 = tpu.memref_squeeze %dma_start3A_100 : memref<1x!tpu.dma_semaphore, #tpu.memory_space<semaphore_mem>> -> memref<!tpu.dma_semaphore, #tpu.memory_space<semaphore_mem>>
    %dma_start3A_102 = arith.constant 0 : i32
    %dma_start3A_103 = arith.constant 0 : i32
    %dma_start3A_104 = tpu.memref_slice %arg4[%add3A, %dma_start3A_90, %dma_start3A_102, %dma_start3A_103] : memref<32x200x128x64xf32, #tpu.memory_space<hbm>> -> memref<1x1x128x64xf32, #tpu.memory_space<hbm>>
    %dma_start3A_105 = tpu.memref_squeeze %dma_start3A_104 : memref<1x1x128x64xf32, #tpu.memory_space<hbm>> -> memref<128x64xf32, #tpu.memory_space<hbm>>
    %dma_start3A_106 = arith.constant 0 : i32
    %dma_start3A_107 = arith.constant 0 : i32
    %dma_start3A_108 = tpu.memref_slice %arg6[%dma_start3A_89, %dma_start3A_106, %dma_start3A_107] : memref<8x128x64xf32, #tpu.memory_space<vmem>> -> memref<1x128x64xf32, #tpu.memory_space<vmem>>
    %dma_start3A_109 = tpu.memref_squeeze %dma_start3A_108 : memref<1x128x64xf32, #tpu.memory_space<vmem>> -> memref<128x64xf32, #tpu.memory_space<vmem>>
    tpu.enqueue_dma source(%dma_start3A_109 : memref<128x64xf32, #tpu.memory_space<vmem>>) target(%dma_start3A_105 : memref<128x64xf32, #tpu.memory_space<hbm>>) target_semaphore(%dma_start3A_101 : memref<!tpu.dma_semaphore, #tpu.memory_space<semaphore_mem>>)
    %dma_start3A_110 = arith.constant 5 : i32
    %dma_start3A_111 = arith.constant 5 : i32
    %dma_start3A_112 = arith.constant 5 : i32
    %dma_start3A_113 = arith.constant 0 : i32
    %dma_start3A_114 = arith.constant 0 : i32
    %dma_start3A_115 = tpu.memref_slice %arg6[%dma_start3A_111, %dma_start3A_113, %dma_start3A_114] : memref<8x128x64xf32, #tpu.memory_space<vmem>> -> memref<1x128x64xf32, #tpu.memory_space<vmem>>
    %dma_start3A_116 = tpu.memref_squeeze %dma_start3A_115 : memref<1x128x64xf32, #tpu.memory_space<vmem>> -> memref<128x64xf32, #tpu.memory_space<vmem>>
    %dma_start3A_117 = arith.constant 0 : i32
    %dma_start3A_118 = tpu.memref_slice %arg5[%dma_start3A_110, %dma_start3A_117] : memref<200x128xi32, #tpu.memory_space<vmem>> -> memref<1x128xi32, #tpu.memory_space<vmem>>
    %dma_start3A_119 = tpu.memref_squeeze %dma_start3A_118 : memref<1x128xi32, #tpu.memory_space<vmem>> -> memref<128xi32, #tpu.memory_space<vmem>>
    %dma_start3A_120 = arith.constant 0 : i32
    %dma_start3A_121 = arith.constant 0 : i32
    %dma_start3A_122 = tpu.memref_slice %arg3[%dma_start3A_120, %dma_start3A_121] : memref<1000000x64xf32, #tpu.memory_space<hbm>> -> memref<1000000x64xf32, #tpu.memory_space<hbm>>
    %dma_start3A_123 = tpu.memref_slice %arg7[%dma_start3A_112] : memref<8x!tpu.dma_semaphore, #tpu.memory_space<semaphore_mem>> -> memref<1x!tpu.dma_semaphore, #tpu.memory_space<semaphore_mem>>
    %dma_start3A_124 = tpu.memref_squeeze %dma_start3A_123 : memref<1x!tpu.dma_semaphore, #tpu.memory_space<semaphore_mem>> -> memref<!tpu.dma_semaphore, #tpu.memory_space<semaphore_mem>>
    tpu.enqueue_indirect_dma source(%dma_start3A_122 : memref<1000000x64xf32, #tpu.memory_space<hbm>>) target(%dma_start3A_116 : memref<128x64xf32, #tpu.memory_space<vmem>>) offsets(%dma_start3A_119 : memref<128xi32, #tpu.memory_space<vmem>>) semaphore(%dma_start3A_124 : memref<!tpu.dma_semaphore, #tpu.memory_space<semaphore_mem>>)
    %dma_wait3A_125 = arith.constant 0 : i32
    %dma_wait3A_126 = arith.constant 1 : i32
    %dma_wait3A_127 = arith.constant 1 : i32
    %dma_wait3A_128 = arith.constant 0 : i32
    %dma_wait3A_129 = arith.constant 0 : i32
    %dma_wait3A_130 = tpu.memref_slice %arg6[%dma_wait3A_126, %dma_wait3A_128, %dma_wait3A_129] : memref<8x128x64xf32, #tpu.memory_space<vmem>> -> memref<1x128x64xf32, #tpu.memory_space<vmem>>
    %dma_wait3A_131 = tpu.memref_squeeze %dma_wait3A_130 : memref<1x128x64xf32, #tpu.memory_space<vmem>> -> memref<128x64xf32, #tpu.memory_space<vmem>>
    %dma_wait3A_132 = arith.constant 0 : i32
    %dma_wait3A_133 = tpu.memref_slice %arg5[%dma_wait3A_125, %dma_wait3A_132] : memref<200x128xi32, #tpu.memory_space<vmem>> -> memref<1x128xi32, #tpu.memory_space<vmem>>
    %dma_wait3A_134 = tpu.memref_squeeze %dma_wait3A_133 : memref<1x128xi32, #tpu.memory_space<vmem>> -> memref<128xi32, #tpu.memory_space<vmem>>
    %dma_wait3A_135 = arith.constant 0 : i32
    %dma_wait3A_136 = arith.constant 0 : i32
    %dma_wait3A_137 = tpu.memref_slice %arg3[%dma_wait3A_135, %dma_wait3A_136] : memref<1000000x64xf32, #tpu.memory_space<hbm>> -> memref<1000000x64xf32, #tpu.memory_space<hbm>>
    %dma_wait3A_138 = tpu.memref_slice %arg7[%dma_wait3A_127] : memref<8x!tpu.dma_semaphore, #tpu.memory_space<semaphore_mem>> -> memref<1x!tpu.dma_semaphore, #tpu.memory_space<semaphore_mem>>
    %dma_wait3A_139 = tpu.memref_squeeze %dma_wait3A_138 : memref<1x!tpu.dma_semaphore, #tpu.memory_space<semaphore_mem>> -> memref<!tpu.dma_semaphore, #tpu.memory_space<semaphore_mem>>
    tpu.wait_indirect_dma semaphore(%dma_wait3A_139 : memref<!tpu.dma_semaphore, #tpu.memory_space<semaphore_mem>>) src(%dma_wait3A_137 : memref<1000000x64xf32, #tpu.memory_space<hbm>>) dst(%dma_wait3A_131 : memref<128x64xf32, #tpu.memory_space<vmem>>)
    %dma_start3A_140 = arith.constant 1 : i32
    %dma_start3A_141 = arith.constant 1 : i32
    %dma_start3A_142 = arith.constant 1 : i32
    %dma_start3A_143 = arith.constant 0 : i32
    %dma_start3A_144 = arith.constant 0 : i32
    %dma_start3A_145 = tpu.memref_slice %arg6[%dma_start3A_140, %dma_start3A_143, %dma_start3A_144] : memref<8x128x64xf32, #tpu.memory_space<vmem>> -> memref<1x128x64xf32, #tpu.memory_space<vmem>>
    %dma_start3A_146 = tpu.memref_squeeze %dma_start3A_145 : memref<1x128x64xf32, #tpu.memory_space<vmem>> -> memref<128x64xf32, #tpu.memory_space<vmem>>
    %dma_start3A_147 = arith.constant 0 : i32
    %dma_start3A_148 = arith.constant 0 : i32
    %dma_start3A_149 = tpu.memref_slice %arg4[%add3A, %dma_start3A_141, %dma_start3A_147, %dma_start3A_148] : memref<32x200x128x64xf32, #tpu.memory_space<hbm>> -> memref<1x1x128x64xf32, #tpu.memory_space<hbm>>
    %dma_start3A_150 = tpu.memref_squeeze %dma_start3A_149 : memref<1x1x128x64xf32, #tpu.memory_space<hbm>> -> memref<128x64xf32, #tpu.memory_space<hbm>>
    %dma_start3A_151 = tpu.memref_slice %arg8[%dma_start3A_142] : memref<8x!tpu.dma_semaphore, #tpu.memory_space<semaphore_mem>> -> memref<1x!tpu.dma_semaphore, #tpu.memory_space<semaphore_mem>>
    %dma_start3A_152 = tpu.memref_squeeze %dma_start3A_151 : memref<1x!tpu.dma_semaphore, #tpu.memory_space<semaphore_mem>> -> memref<!tpu.dma_semaphore, #tpu.memory_space<semaphore_mem>>
    %dma_start3A_153 = arith.constant 0 : i32
    %dma_start3A_154 = arith.constant 0 : i32
    %dma_start3A_155 = tpu.memref_slice %arg4[%add3A, %dma_start3A_141, %dma_start3A_153, %dma_start3A_154] : memref<32x200x128x64xf32, #tpu.memory_space<hbm>> -> memref<1x1x128x64xf32, #tpu.memory_space<hbm>>
    %dma_start3A_156 = tpu.memref_squeeze %dma_start3A_155 : memref<1x1x128x64xf32, #tpu.memory_space<hbm>> -> memref<128x64xf32, #tpu.memory_space<hbm>>
    %dma_start3A_157 = arith.constant 0 : i32
    %dma_start3A_158 = arith.constant 0 : i32
    %dma_start3A_159 = tpu.memref_slice %arg6[%dma_start3A_140, %dma_start3A_157, %dma_start3A_158] : memref<8x128x64xf32, #tpu.memory_space<vmem>> -> memref<1x128x64xf32, #tpu.memory_space<vmem>>
    %dma_start3A_160 = tpu.memref_squeeze %dma_start3A_159 : memref<1x128x64xf32, #tpu.memory_space<vmem>> -> memref<128x64xf32, #tpu.memory_space<vmem>>
    tpu.enqueue_dma source(%dma_start3A_160 : memref<128x64xf32, #tpu.memory_space<vmem>>) target(%dma_start3A_156 : memref<128x64xf32, #tpu.memory_space<hbm>>) target_semaphore(%dma_start3A_152 : memref<!tpu.dma_semaphore, #tpu.memory_space<semaphore_mem>>)
    %dma_start3A_161 = arith.constant 6 : i32
    %dma_start3A_162 = arith.constant 6 : i32
    %dma_start3A_163 = arith.constant 6 : i32
    %dma_start3A_164 = arith.constant 0 : i32
    %dma_start3A_165 = arith.constant 0 : i32
    %dma_start3A_166 = tpu.memref_slice %arg6[%dma_start3A_162, %dma_start3A_164, %dma_start3A_165] : memref<8x128x64xf32, #tpu.memory_space<vmem>> -> memref<1x128x64xf32, #tpu.memory_space<vmem>>
    %dma_start3A_167 = tpu.memref_squeeze %dma_start3A_166 : memref<1x128x64xf32, #tpu.memory_space<vmem>> -> memref<128x64xf32, #tpu.memory_space<vmem>>
    %dma_start3A_168 = arith.constant 0 : i32
    %dma_start3A_169 = tpu.memref_slice %arg5[%dma_start3A_161, %dma_start3A_168] : memref<200x128xi32, #tpu.memory_space<vmem>> -> memref<1x128xi32, #tpu.memory_space<vmem>>
    %dma_start3A_170 = tpu.memref_squeeze %dma_start3A_169 : memref<1x128xi32, #tpu.memory_space<vmem>> -> memref<128xi32, #tpu.memory_space<vmem>>
    %dma_start3A_171 = arith.constant 0 : i32
    %dma_start3A_172 = arith.constant 0 : i32
    %dma_start3A_173 = tpu.memref_slice %arg3[%dma_start3A_171, %dma_start3A_172] : memref<1000000x64xf32, #tpu.memory_space<hbm>> -> memref<1000000x64xf32, #tpu.memory_space<hbm>>
    %dma_start3A_174 = tpu.memref_slice %arg7[%dma_start3A_163] : memref<8x!tpu.dma_semaphore, #tpu.memory_space<semaphore_mem>> -> memref<1x!tpu.dma_semaphore, #tpu.memory_space<semaphore_mem>>
    %dma_start3A_175 = tpu.memref_squeeze %dma_start3A_174 : memref<1x!tpu.dma_semaphore, #tpu.memory_space<semaphore_mem>> -> memref<!tpu.dma_semaphore, #tpu.memory_space<semaphore_mem>>
    tpu.enqueue_indirect_dma source(%dma_start3A_173 : memref<1000000x64xf32, #tpu.memory_space<hbm>>) target(%dma_start3A_167 : memref<128x64xf32, #tpu.memory_space<vmem>>) offsets(%dma_start3A_170 : memref<128xi32, #tpu.memory_space<vmem>>) semaphore(%dma_start3A_175 : memref<!tpu.dma_semaphore, #tpu.memory_space<semaphore_mem>>)
    %dma_wait3A_176 = arith.constant 0 : i32
    %dma_wait3A_177 = arith.constant 2 : i32
    %dma_wait3A_178 = arith.constant 2 : i32
    %dma_wait3A_179 = arith.constant 0 : i32
    %dma_wait3A_180 = arith.constant 0 : i32
    %dma_wait3A_181 = tpu.memref_slice %arg6[%dma_wait3A_177, %dma_wait3A_179, %dma_wait3A_180] : memref<8x128x64xf32, #tpu.memory_space<vmem>> -> memref<1x128x64xf32, #tpu.memory_space<vmem>>
    %dma_wait3A_182 = tpu.memref_squeeze %dma_wait3A_181 : memref<1x128x64xf32, #tpu.memory_space<vmem>> -> memref<128x64xf32, #tpu.memory_space<vmem>>
    %dma_wait3A_183 = arith.constant 0 : i32
    %dma_wait3A_184 = tpu.memref_slice %arg5[%dma_wait3A_176, %dma_wait3A_183] : memref<200x128xi32, #tpu.memory_space<vmem>> -> memref<1x128xi32, #tpu.memory_space<vmem>>
    %dma_wait3A_185 = tpu.memref_squeeze %dma_wait3A_184 : memref<1x128xi32, #tpu.memory_space<vmem>> -> memref<128xi32, #tpu.memory_space<vmem>>
    %dma_wait3A_186 = arith.constant 0 : i32
    %dma_wait3A_187 = arith.constant 0 : i32
    %dma_wait3A_188 = tpu.memref_slice %arg3[%dma_wait3A_186, %dma_wait3A_187] : memref<1000000x64xf32, #tpu.memory_space<hbm>> -> memref<1000000x64xf32, #tpu.memory_space<hbm>>
    %dma_wait3A_189 = tpu.memref_slice %arg7[%dma_wait3A_178] : memref<8x!tpu.dma_semaphore, #tpu.memory_space<semaphore_mem>> -> memref<1x!tpu.dma_semaphore, #tpu.memory_space<semaphore_mem>>
    %dma_wait3A_190 = tpu.memref_squeeze %dma_wait3A_189 : memref<1x!tpu.dma_semaphore, #tpu.memory_space<semaphore_mem>> -> memref<!tpu.dma_semaphore, #tpu.memory_space<semaphore_mem>>
    tpu.wait_indirect_dma semaphore(%dma_wait3A_190 : memref<!tpu.dma_semaphore, #tpu.memory_space<semaphore_mem>>) src(%dma_wait3A_188 : memref<1000000x64xf32, #tpu.memory_space<hbm>>) dst(%dma_wait3A_182 : memref<128x64xf32, #tpu.memory_space<vmem>>)
    %dma_start3A_191 = arith.constant 2 : i32
    %dma_start3A_192 = arith.constant 2 : i32
    %dma_start3A_193 = arith.constant 2 : i32
    %dma_start3A_194 = arith.constant 0 : i32
    %dma_start3A_195 = arith.constant 0 : i32
    %dma_start3A_196 = tpu.memref_slice %arg6[%dma_start3A_191, %dma_start3A_194, %dma_start3A_195] : memref<8x128x64xf32, #tpu.memory_space<vmem>> -> memref<1x128x64xf32, #tpu.memory_space<vmem>>
    %dma_start3A_197 = tpu.memref_squeeze %dma_start3A_196 : memref<1x128x64xf32, #tpu.memory_space<vmem>> -> memref<128x64xf32, #tpu.memory_space<vmem>>
    %dma_start3A_198 = arith.constant 0 : i32
    %dma_start3A_199 = arith.constant 0 : i32
    %dma_start3A_200 = tpu.memref_slice %arg4[%add3A, %dma_start3A_192, %dma_start3A_198, %dma_start3A_199] : memref<32x200x128x64xf32, #tpu.memory_space<hbm>> -> memref<1x1x128x64xf32, #tpu.memory_space<hbm>>
    %dma_start3A_201 = tpu.memref_squeeze %dma_start3A_200 : memref<1x1x128x64xf32, #tpu.memory_space<hbm>> -> memref<128x64xf32, #tpu.memory_space<hbm>>
    %dma_start3A_202 = tpu.memref_slice %arg8[%dma_start3A_193] : memref<8x!tpu.dma_semaphore, #tpu.memory_space<semaphore_mem>> -> memref<1x!tpu.dma_semaphore, #tpu.memory_space<semaphore_mem>>
    %dma_start3A_203 = tpu.memref_squeeze %dma_start3A_202 : memref<1x!tpu.dma_semaphore, #tpu.memory_space<semaphore_mem>> -> memref<!tpu.dma_semaphore, #tpu.memory_space<semaphore_mem>>
    %dma_start3A_204 = arith.constant 0 : i32
    %dma_start3A_205 = arith.constant 0 : i32
    %dma_start3A_206 = tpu.memref_slice %arg4[%add3A, %dma_start3A_192, %dma_start3A_204, %dma_start3A_205] : memref<32x200x128x64xf32, #tpu.memory_space<hbm>> -> memref<1x1x128x64xf32, #tpu.memory_space<hbm>>
    %dma_start3A_207 = tpu.memref_squeeze %dma_start3A_206 : memref<1x1x128x64xf32, #tpu.memory_space<hbm>> -> memref<128x64xf32, #tpu.memory_space<hbm>>
    %dma_start3A_208 = arith.constant 0 : i32
    %dma_start3A_209 = arith.constant 0 : i32
    %dma_start3A_210 = tpu.memref_slice %arg6[%dma_start3A_191, %dma_start3A_208, %dma_start3A_209] : memref<8x128x64xf32, #tpu.memory_space<vmem>> -> memref<1x128x64xf32, #tpu.memory_space<vmem>>
    %dma_start3A_211 = tpu.memref_squeeze %dma_start3A_210 : memref<1x128x64xf32, #tpu.memory_space<vmem>> -> memref<128x64xf32, #tpu.memory_space<vmem>>
    tpu.enqueue_dma source(%dma_start3A_211 : memref<128x64xf32, #tpu.memory_space<vmem>>) target(%dma_start3A_207 : memref<128x64xf32, #tpu.memory_space<hbm>>) target_semaphore(%dma_start3A_203 : memref<!tpu.dma_semaphore, #tpu.memory_space<semaphore_mem>>)
    %dma_start3A_212 = arith.constant 7 : i32
    %dma_start3A_213 = arith.constant 7 : i32
    %dma_start3A_214 = arith.constant 7 : i32
    %dma_start3A_215 = arith.constant 0 : i32
    %dma_start3A_216 = arith.constant 0 : i32
    %dma_start3A_217 = tpu.memref_slice %arg6[%dma_start3A_213, %dma_start3A_215, %dma_start3A_216] : memref<8x128x64xf32, #tpu.memory_space<vmem>> -> memref<1x128x64xf32, #tpu.memory_space<vmem>>
    %dma_start3A_218 = tpu.memref_squeeze %dma_start3A_217 : memref<1x128x64xf32, #tpu.memory_space<vmem>> -> memref<128x64xf32, #tpu.memory_space<vmem>>
    %dma_start3A_219 = arith.constant 0 : i32
    %dma_start3A_220 = tpu.memref_slice %arg5[%dma_start3A_212, %dma_start3A_219] : memref<200x128xi32, #tpu.memory_space<vmem>> -> memref<1x128xi32, #tpu.memory_space<vmem>>
    %dma_start3A_221 = tpu.memref_squeeze %dma_start3A_220 : memref<1x128xi32, #tpu.memory_space<vmem>> -> memref<128xi32, #tpu.memory_space<vmem>>
    %dma_start3A_222 = arith.constant 0 : i32
    %dma_start3A_223 = arith.constant 0 : i32
    %dma_start3A_224 = tpu.memref_slice %arg3[%dma_start3A_222, %dma_start3A_223] : memref<1000000x64xf32, #tpu.memory_space<hbm>> -> memref<1000000x64xf32, #tpu.memory_space<hbm>>
    %dma_start3A_225 = tpu.memref_slice %arg7[%dma_start3A_214] : memref<8x!tpu.dma_semaphore, #tpu.memory_space<semaphore_mem>> -> memref<1x!tpu.dma_semaphore, #tpu.memory_space<semaphore_mem>>
    %dma_start3A_226 = tpu.memref_squeeze %dma_start3A_225 : memref<1x!tpu.dma_semaphore, #tpu.memory_space<semaphore_mem>> -> memref<!tpu.dma_semaphore, #tpu.memory_space<semaphore_mem>>
    tpu.enqueue_indirect_dma source(%dma_start3A_224 : memref<1000000x64xf32, #tpu.memory_space<hbm>>) target(%dma_start3A_218 : memref<128x64xf32, #tpu.memory_space<vmem>>) offsets(%dma_start3A_221 : memref<128xi32, #tpu.memory_space<vmem>>) semaphore(%dma_start3A_226 : memref<!tpu.dma_semaphore, #tpu.memory_space<semaphore_mem>>)
    %dma_wait3A_227 = arith.constant 0 : i32
    %dma_wait3A_228 = arith.constant 3 : i32
    %dma_wait3A_229 = arith.constant 3 : i32
    %dma_wait3A_230 = arith.constant 0 : i32
    %dma_wait3A_231 = arith.constant 0 : i32
    %dma_wait3A_232 = tpu.memref_slice %arg6[%dma_wait3A_228, %dma_wait3A_230, %dma_wait3A_231] : memref<8x128x64xf32, #tpu.memory_space<vmem>> -> memref<1x128x64xf32, #tpu.memory_space<vmem>>
    %dma_wait3A_233 = tpu.memref_squeeze %dma_wait3A_232 : memref<1x128x64xf32, #tpu.memory_space<vmem>> -> memref<128x64xf32, #tpu.memory_space<vmem>>
    %dma_wait3A_234 = arith.constant 0 : i32
    %dma_wait3A_235 = tpu.memref_slice %arg5[%dma_wait3A_227, %dma_wait3A_234] : memref<200x128xi32, #tpu.memory_space<vmem>> -> memref<1x128xi32, #tpu.memory_space<vmem>>
    %dma_wait3A_236 = tpu.memref_squeeze %dma_wait3A_235 : memref<1x128xi32, #tpu.memory_space<vmem>> -> memref<128xi32, #tpu.memory_space<vmem>>
    %dma_wait3A_237 = arith.constant 0 : i32
    %dma_wait3A_238 = arith.constant 0 : i32
    %dma_wait3A_239 = tpu.memref_slice %arg3[%dma_wait3A_237, %dma_wait3A_238] : memref<1000000x64xf32, #tpu.memory_space<hbm>> -> memref<1000000x64xf32, #tpu.memory_space<hbm>>
    %dma_wait3A_240 = tpu.memref_slice %arg7[%dma_wait3A_229] : memref<8x!tpu.dma_semaphore, #tpu.memory_space<semaphore_mem>> -> memref<1x!tpu.dma_semaphore, #tpu.memory_space<semaphore_mem>>
    %dma_wait3A_241 = tpu.memref_squeeze %dma_wait3A_240 : memref<1x!tpu.dma_semaphore, #tpu.memory_space<semaphore_mem>> -> memref<!tpu.dma_semaphore, #tpu.memory_space<semaphore_mem>>
    tpu.wait_indirect_dma semaphore(%dma_wait3A_241 : memref<!tpu.dma_semaphore, #tpu.memory_space<semaphore_mem>>) src(%dma_wait3A_239 : memref<1000000x64xf32, #tpu.memory_space<hbm>>) dst(%dma_wait3A_233 : memref<128x64xf32, #tpu.memory_space<vmem>>)
    %dma_start3A_242 = arith.constant 3 : i32
    %dma_start3A_243 = arith.constant 3 : i32
    %dma_start3A_244 = arith.constant 3 : i32
    %dma_start3A_245 = arith.constant 0 : i32
    %dma_start3A_246 = arith.constant 0 : i32
    %dma_start3A_247 = tpu.memref_slice %arg6[%dma_start3A_242, %dma_start3A_245, %dma_start3A_246] : memref<8x128x64xf32, #tpu.memory_space<vmem>> -> memref<1x128x64xf32, #tpu.memory_space<vmem>>
    %dma_start3A_248 = tpu.memref_squeeze %dma_start3A_247 : memref<1x128x64xf32, #tpu.memory_space<vmem>> -> memref<128x64xf32, #tpu.memory_space<vmem>>
    %dma_start3A_249 = arith.constant 0 : i32
    %dma_start3A_250 = arith.constant 0 : i32
    %dma_start3A_251 = tpu.memref_slice %arg4[%add3A, %dma_start3A_243, %dma_start3A_249, %dma_start3A_250] : memref<32x200x128x64xf32, #tpu.memory_space<hbm>> -> memref<1x1x128x64xf32, #tpu.memory_space<hbm>>
    %dma_start3A_252 = tpu.memref_squeeze %dma_start3A_251 : memref<1x1x128x64xf32, #tpu.memory_space<hbm>> -> memref<128x64xf32, #tpu.memory_space<hbm>>
    %dma_start3A_253 = tpu.memref_slice %arg8[%dma_start3A_244] : memref<8x!tpu.dma_semaphore, #tpu.memory_space<semaphore_mem>> -> memref<1x!tpu.dma_semaphore, #tpu.memory_space<semaphore_mem>>
    %dma_start3A_254 = tpu.memref_squeeze %dma_start3A_253 : memref<1x!tpu.dma_semaphore, #tpu.memory_space<semaphore_mem>> -> memref<!tpu.dma_semaphore, #tpu.memory_space<semaphore_mem>>
    %dma_start3A_255 = arith.constant 0 : i32
    %dma_start3A_256 = arith.constant 0 : i32
    %dma_start3A_257 = tpu.memref_slice %arg4[%add3A, %dma_start3A_243, %dma_start3A_255, %dma_start3A_256] : memref<32x200x128x64xf32, #tpu.memory_space<hbm>> -> memref<1x1x128x64xf32, #tpu.memory_space<hbm>>
    %dma_start3A_258 = tpu.memref_squeeze %dma_start3A_257 : memref<1x1x128x64xf32, #tpu.memory_space<hbm>> -> memref<128x64xf32, #tpu.memory_space<hbm>>
    %dma_start3A_259 = arith.constant 0 : i32
    %dma_start3A_260 = arith.constant 0 : i32
    %dma_start3A_261 = tpu.memref_slice %arg6[%dma_start3A_242, %dma_start3A_259, %dma_start3A_260] : memref<8x128x64xf32, #tpu.memory_space<vmem>> -> memref<1x128x64xf32, #tpu.memory_space<vmem>>
    %dma_start3A_262 = tpu.memref_squeeze %dma_start3A_261 : memref<1x128x64xf32, #tpu.memory_space<vmem>> -> memref<128x64xf32, #tpu.memory_space<vmem>>
    tpu.enqueue_dma source(%dma_start3A_262 : memref<128x64xf32, #tpu.memory_space<vmem>>) target(%dma_start3A_258 : memref<128x64xf32, #tpu.memory_space<hbm>>) target_semaphore(%dma_start3A_254 : memref<!tpu.dma_semaphore, #tpu.memory_space<semaphore_mem>>)
    %scan3A = arith.constant 0 : i32
    %scan3A_263 = arith.constant 1 : i32
    %scan3A_264 = arith.constant 24 : i32
    %scan3A_265 = arith.addi %scan3A_263, %scan3A_264 : i32
    %scan3A_266 = arith.constant 1 : i32
    scf.for %scan3A_580 = %scan3A_263 to %scan3A_265 step %scan3A_266  : i32 {
      %sub3A = arith.constant 1 : i32
      %sub3A_581 = arith.subi %scan3A_580, %sub3A : i32
      %mul3A_582 = arith.constant 8 : i32
      %mul3A_583 = arith.muli %sub3A_581, %mul3A_582 : i32
      %add3A_584 = arith.constant 4 : i32
      %add3A_585 = arith.addi %add3A_584, %mul3A_583 : i32
      %add3A_586 = arith.constant 0 : i32
      %add3A_587 = arith.addi %add3A_585, %add3A_586 : i32
      %dma_wait3A_588 = arith.constant 0 : i32
      %dma_wait3A_589 = arith.constant 0 : i32
      %dma_wait3A_590 = arith.constant 0 : i32
      %dma_wait3A_591 = arith.constant 0 : i32
      %dma_wait3A_592 = arith.constant 0 : i32
      %dma_wait3A_593 = tpu.memref_slice %arg6[%dma_wait3A_588, %dma_wait3A_591, %dma_wait3A_592] : memref<8x128x64xf32, #tpu.memory_space<vmem>> -> memref<1x128x64xf32, #tpu.memory_space<vmem>>
      %dma_wait3A_594 = tpu.memref_squeeze %dma_wait3A_593 : memref<1x128x64xf32, #tpu.memory_space<vmem>> -> memref<128x64xf32, #tpu.memory_space<vmem>>
      %dma_wait3A_595 = arith.constant 0 : i32
      %dma_wait3A_596 = arith.constant 0 : i32
      %dma_wait3A_597 = tpu.memref_slice %arg4[%add3A, %dma_wait3A_589, %dma_wait3A_595, %dma_wait3A_596] : memref<32x200x128x64xf32, #tpu.memory_space<hbm>> -> memref<1x1x128x64xf32, #tpu.memory_space<hbm>>
      %dma_wait3A_598 = tpu.memref_squeeze %dma_wait3A_597 : memref<1x1x128x64xf32, #tpu.memory_space<hbm>> -> memref<128x64xf32, #tpu.memory_space<hbm>>
      %dma_wait3A_599 = tpu.memref_slice %arg8[%dma_wait3A_590] : memref<8x!tpu.dma_semaphore, #tpu.memory_space<semaphore_mem>> -> memref<1x!tpu.dma_semaphore, #tpu.memory_space<semaphore_mem>>
      %dma_wait3A_600 = tpu.memref_squeeze %dma_wait3A_599 : memref<1x!tpu.dma_semaphore, #tpu.memory_space<semaphore_mem>> -> memref<!tpu.dma_semaphore, #tpu.memory_space<semaphore_mem>>
      %dma_wait3A_601 = arith.constant 0 : i32
      %dma_wait3A_602 = arith.constant 0 : i32
      %dma_wait3A_603 = tpu.memref_slice %arg4[%add3A, %dma_wait3A_589, %dma_wait3A_601, %dma_wait3A_602] : memref<32x200x128x64xf32, #tpu.memory_space<hbm>> -> memref<1x1x128x64xf32, #tpu.memory_space<hbm>>
      %dma_wait3A_604 = tpu.memref_squeeze %dma_wait3A_603 : memref<1x1x128x64xf32, #tpu.memory_space<hbm>> -> memref<128x64xf32, #tpu.memory_space<hbm>>
      %dma_wait3A_605 = arith.constant 0 : i32
      %dma_wait3A_606 = arith.constant 0 : i32
      %dma_wait3A_607 = tpu.memref_slice %arg6[%dma_wait3A_588, %dma_wait3A_605, %dma_wait3A_606] : memref<8x128x64xf32, #tpu.memory_space<vmem>> -> memref<1x128x64xf32, #tpu.memory_space<vmem>>
      %dma_wait3A_608 = tpu.memref_squeeze %dma_wait3A_607 : memref<1x128x64xf32, #tpu.memory_space<vmem>> -> memref<128x64xf32, #tpu.memory_space<vmem>>
      tpu.wait_dma2 semaphore(%dma_wait3A_600 : memref<!tpu.dma_semaphore, #tpu.memory_space<semaphore_mem>>) src(%dma_wait3A_608 : memref<128x64xf32, #tpu.memory_space<vmem>>) dst(%dma_wait3A_604 : memref<128x64xf32, #tpu.memory_space<hbm>>)
      %add3A_609 = arith.constant 4 : i32
      %add3A_610 = arith.addi %add3A_587, %add3A_609 : i32
      %dma_start3A_611 = arith.constant 0 : i32
      %dma_start3A_612 = arith.constant 0 : i32
      %dma_start3A_613 = arith.constant 0 : i32
      %dma_start3A_614 = arith.constant 0 : i32
      %dma_start3A_615 = tpu.memref_slice %arg6[%dma_start3A_611, %dma_start3A_613, %dma_start3A_614] : memref<8x128x64xf32, #tpu.memory_space<vmem>> -> memref<1x128x64xf32, #tpu.memory_space<vmem>>
      %dma_start3A_616 = tpu.memref_squeeze %dma_start3A_615 : memref<1x128x64xf32, #tpu.memory_space<vmem>> -> memref<128x64xf32, #tpu.memory_space<vmem>>
      %dma_start3A_617 = arith.constant 0 : i32
      %dma_start3A_618 = tpu.memref_slice %arg5[%add3A_610, %dma_start3A_617] : memref<200x128xi32, #tpu.memory_space<vmem>> -> memref<1x128xi32, #tpu.memory_space<vmem>>
      %dma_start3A_619 = tpu.memref_squeeze %dma_start3A_618 : memref<1x128xi32, #tpu.memory_space<vmem>> -> memref<128xi32, #tpu.memory_space<vmem>>
      %dma_start3A_620 = arith.constant 0 : i32
      %dma_start3A_621 = arith.constant 0 : i32
      %dma_start3A_622 = tpu.memref_slice %arg3[%dma_start3A_620, %dma_start3A_621] : memref<1000000x64xf32, #tpu.memory_space<hbm>> -> memref<1000000x64xf32, #tpu.memory_space<hbm>>
      %dma_start3A_623 = tpu.memref_slice %arg7[%dma_start3A_612] : memref<8x!tpu.dma_semaphore, #tpu.memory_space<semaphore_mem>> -> memref<1x!tpu.dma_semaphore, #tpu.memory_space<semaphore_mem>>
      %dma_start3A_624 = tpu.memref_squeeze %dma_start3A_623 : memref<1x!tpu.dma_semaphore, #tpu.memory_space<semaphore_mem>> -> memref<!tpu.dma_semaphore, #tpu.memory_space<semaphore_mem>>
      tpu.enqueue_indirect_dma source(%dma_start3A_622 : memref<1000000x64xf32, #tpu.memory_space<hbm>>) target(%dma_start3A_616 : memref<128x64xf32, #tpu.memory_space<vmem>>) offsets(%dma_start3A_619 : memref<128xi32, #tpu.memory_space<vmem>>) semaphore(%dma_start3A_624 : memref<!tpu.dma_semaphore, #tpu.memory_space<semaphore_mem>>)
      %dma_wait3A_625 = arith.constant 0 : i32
      %dma_wait3A_626 = arith.constant 4 : i32
      %dma_wait3A_627 = arith.constant 4 : i32
      %dma_wait3A_628 = arith.constant 0 : i32
      %dma_wait3A_629 = arith.constant 0 : i32
      %dma_wait3A_630 = tpu.memref_slice %arg6[%dma_wait3A_626, %dma_wait3A_628, %dma_wait3A_629] : memref<8x128x64xf32, #tpu.memory_space<vmem>> -> memref<1x128x64xf32, #tpu.memory_space<vmem>>
      %dma_wait3A_631 = tpu.memref_squeeze %dma_wait3A_630 : memref<1x128x64xf32, #tpu.memory_space<vmem>> -> memref<128x64xf32, #tpu.memory_space<vmem>>
      %dma_wait3A_632 = arith.constant 0 : i32
      %dma_wait3A_633 = tpu.memref_slice %arg5[%dma_wait3A_625, %dma_wait3A_632] : memref<200x128xi32, #tpu.memory_space<vmem>> -> memref<1x128xi32, #tpu.memory_space<vmem>>
      %dma_wait3A_634 = tpu.memref_squeeze %dma_wait3A_633 : memref<1x128xi32, #tpu.memory_space<vmem>> -> memref<128xi32, #tpu.memory_space<vmem>>
      %dma_wait3A_635 = arith.constant 0 : i32
      %dma_wait3A_636 = arith.constant 0 : i32
      %dma_wait3A_637 = tpu.memref_slice %arg3[%dma_wait3A_635, %dma_wait3A_636] : memref<1000000x64xf32, #tpu.memory_space<hbm>> -> memref<1000000x64xf32, #tpu.memory_space<hbm>>
      %dma_wait3A_638 = tpu.memref_slice %arg7[%dma_wait3A_627] : memref<8x!tpu.dma_semaphore, #tpu.memory_space<semaphore_mem>> -> memref<1x!tpu.dma_semaphore, #tpu.memory_space<semaphore_mem>>
      %dma_wait3A_639 = tpu.memref_squeeze %dma_wait3A_638 : memref<1x!tpu.dma_semaphore, #tpu.memory_space<semaphore_mem>> -> memref<!tpu.dma_semaphore, #tpu.memory_space<semaphore_mem>>
      tpu.wait_indirect_dma semaphore(%dma_wait3A_639 : memref<!tpu.dma_semaphore, #tpu.memory_space<semaphore_mem>>) src(%dma_wait3A_637 : memref<1000000x64xf32, #tpu.memory_space<hbm>>) dst(%dma_wait3A_631 : memref<128x64xf32, #tpu.memory_space<vmem>>)
      %dma_start3A_640 = arith.constant 4 : i32
      %dma_start3A_641 = arith.constant 4 : i32
      %dma_start3A_642 = arith.constant 0 : i32
      %dma_start3A_643 = arith.constant 0 : i32
      %dma_start3A_644 = tpu.memref_slice %arg6[%dma_start3A_640, %dma_start3A_642, %dma_start3A_643] : memref<8x128x64xf32, #tpu.memory_space<vmem>> -> memref<1x128x64xf32, #tpu.memory_space<vmem>>
      %dma_start3A_645 = tpu.memref_squeeze %dma_start3A_644 : memref<1x128x64xf32, #tpu.memory_space<vmem>> -> memref<128x64xf32, #tpu.memory_space<vmem>>
      %dma_start3A_646 = arith.constant 0 : i32
      %dma_start3A_647 = arith.constant 0 : i32
      %dma_start3A_648 = tpu.memref_slice %arg4[%add3A, %add3A_587, %dma_start3A_646, %dma_start3A_647] : memref<32x200x128x64xf32, #tpu.memory_space<hbm>> -> memref<1x1x128x64xf32, #tpu.memory_space<hbm>>
      %dma_start3A_649 = tpu.memref_squeeze %dma_start3A_648 : memref<1x1x128x64xf32, #tpu.memory_space<hbm>> -> memref<128x64xf32, #tpu.memory_space<hbm>>
      %dma_start3A_650 = tpu.memref_slice %arg8[%dma_start3A_641] : memref<8x!tpu.dma_semaphore, #tpu.memory_space<semaphore_mem>> -> memref<1x!tpu.dma_semaphore, #tpu.memory_space<semaphore_mem>>
      %dma_start3A_651 = tpu.memref_squeeze %dma_start3A_650 : memref<1x!tpu.dma_semaphore, #tpu.memory_space<semaphore_mem>> -> memref<!tpu.dma_semaphore, #tpu.memory_space<semaphore_mem>>
      %dma_start3A_652 = arith.constant 0 : i32
      %dma_start3A_653 = arith.constant 0 : i32
      %dma_start3A_654 = tpu.memref_slice %arg4[%add3A, %add3A_587, %dma_start3A_652, %dma_start3A_653] : memref<32x200x128x64xf32, #tpu.memory_space<hbm>> -> memref<1x1x128x64xf32, #tpu.memory_space<hbm>>
      %dma_start3A_655 = tpu.memref_squeeze %dma_start3A_654 : memref<1x1x128x64xf32, #tpu.memory_space<hbm>> -> memref<128x64xf32, #tpu.memory_space<hbm>>
      %dma_start3A_656 = arith.constant 0 : i32
      %dma_start3A_657 = arith.constant 0 : i32
      %dma_start3A_658 = tpu.memref_slice %arg6[%dma_start3A_640, %dma_start3A_656, %dma_start3A_657] : memref<8x128x64xf32, #tpu.memory_space<vmem>> -> memref<1x128x64xf32, #tpu.memory_space<vmem>>
      %dma_start3A_659 = tpu.memref_squeeze %dma_start3A_658 : memref<1x128x64xf32, #tpu.memory_space<vmem>> -> memref<128x64xf32, #tpu.memory_space<vmem>>
      tpu.enqueue_dma source(%dma_start3A_659 : memref<128x64xf32, #tpu.memory_space<vmem>>) target(%dma_start3A_655 : memref<128x64xf32, #tpu.memory_space<hbm>>) target_semaphore(%dma_start3A_651 : memref<!tpu.dma_semaphore, #tpu.memory_space<semaphore_mem>>)
      %add3A_660 = arith.constant 1 : i32
      %add3A_661 = arith.addi %add3A_585, %add3A_660 : i32
      %dma_wait3A_662 = arith.constant 1 : i32
      %dma_wait3A_663 = arith.constant 0 : i32
      %dma_wait3A_664 = arith.constant 1 : i32
      %dma_wait3A_665 = arith.constant 0 : i32
      %dma_wait3A_666 = arith.constant 0 : i32
      %dma_wait3A_667 = tpu.memref_slice %arg6[%dma_wait3A_662, %dma_wait3A_665, %dma_wait3A_666] : memref<8x128x64xf32, #tpu.memory_space<vmem>> -> memref<1x128x64xf32, #tpu.memory_space<vmem>>
      %dma_wait3A_668 = tpu.memref_squeeze %dma_wait3A_667 : memref<1x128x64xf32, #tpu.memory_space<vmem>> -> memref<128x64xf32, #tpu.memory_space<vmem>>
      %dma_wait3A_669 = arith.constant 0 : i32
      %dma_wait3A_670 = arith.constant 0 : i32
      %dma_wait3A_671 = tpu.memref_slice %arg4[%add3A, %dma_wait3A_663, %dma_wait3A_669, %dma_wait3A_670] : memref<32x200x128x64xf32, #tpu.memory_space<hbm>> -> memref<1x1x128x64xf32, #tpu.memory_space<hbm>>
      %dma_wait3A_672 = tpu.memref_squeeze %dma_wait3A_671 : memref<1x1x128x64xf32, #tpu.memory_space<hbm>> -> memref<128x64xf32, #tpu.memory_space<hbm>>
      %dma_wait3A_673 = tpu.memref_slice %arg8[%dma_wait3A_664] : memref<8x!tpu.dma_semaphore, #tpu.memory_space<semaphore_mem>> -> memref<1x!tpu.dma_semaphore, #tpu.memory_space<semaphore_mem>>
      %dma_wait3A_674 = tpu.memref_squeeze %dma_wait3A_673 : memref<1x!tpu.dma_semaphore, #tpu.memory_space<semaphore_mem>> -> memref<!tpu.dma_semaphore, #tpu.memory_space<semaphore_mem>>
      %dma_wait3A_675 = arith.constant 0 : i32
      %dma_wait3A_676 = arith.constant 0 : i32
      %dma_wait3A_677 = tpu.memref_slice %arg4[%add3A, %dma_wait3A_663, %dma_wait3A_675, %dma_wait3A_676] : memref<32x200x128x64xf32, #tpu.memory_space<hbm>> -> memref<1x1x128x64xf32, #tpu.memory_space<hbm>>
      %dma_wait3A_678 = tpu.memref_squeeze %dma_wait3A_677 : memref<1x1x128x64xf32, #tpu.memory_space<hbm>> -> memref<128x64xf32, #tpu.memory_space<hbm>>
      %dma_wait3A_679 = arith.constant 0 : i32
      %dma_wait3A_680 = arith.constant 0 : i32
      %dma_wait3A_681 = tpu.memref_slice %arg6[%dma_wait3A_662, %dma_wait3A_679, %dma_wait3A_680] : memref<8x128x64xf32, #tpu.memory_space<vmem>> -> memref<1x128x64xf32, #tpu.memory_space<vmem>>
      %dma_wait3A_682 = tpu.memref_squeeze %dma_wait3A_681 : memref<1x128x64xf32, #tpu.memory_space<vmem>> -> memref<128x64xf32, #tpu.memory_space<vmem>>
      tpu.wait_dma2 semaphore(%dma_wait3A_674 : memref<!tpu.dma_semaphore, #tpu.memory_space<semaphore_mem>>) src(%dma_wait3A_682 : memref<128x64xf32, #tpu.memory_space<vmem>>) dst(%dma_wait3A_678 : memref<128x64xf32, #tpu.memory_space<hbm>>)
      %add3A_683 = arith.constant 4 : i32
      %add3A_684 = arith.addi %add3A_661, %add3A_683 : i32
      %dma_start3A_685 = arith.constant 1 : i32
      %dma_start3A_686 = arith.constant 1 : i32
      %dma_start3A_687 = arith.constant 0 : i32
      %dma_start3A_688 = arith.constant 0 : i32
      %dma_start3A_689 = tpu.memref_slice %arg6[%dma_start3A_685, %dma_start3A_687, %dma_start3A_688] : memref<8x128x64xf32, #tpu.memory_space<vmem>> -> memref<1x128x64xf32, #tpu.memory_space<vmem>>
      %dma_start3A_690 = tpu.memref_squeeze %dma_start3A_689 : memref<1x128x64xf32, #tpu.memory_space<vmem>> -> memref<128x64xf32, #tpu.memory_space<vmem>>
      %dma_start3A_691 = arith.constant 0 : i32
      %dma_start3A_692 = tpu.memref_slice %arg5[%add3A_684, %dma_start3A_691] : memref<200x128xi32, #tpu.memory_space<vmem>> -> memref<1x128xi32, #tpu.memory_space<vmem>>
      %dma_start3A_693 = tpu.memref_squeeze %dma_start3A_692 : memref<1x128xi32, #tpu.memory_space<vmem>> -> memref<128xi32, #tpu.memory_space<vmem>>
      %dma_start3A_694 = arith.constant 0 : i32
      %dma_start3A_695 = arith.constant 0 : i32
      %dma_start3A_696 = tpu.memref_slice %arg3[%dma_start3A_694, %dma_start3A_695] : memref<1000000x64xf32, #tpu.memory_space<hbm>> -> memref<1000000x64xf32, #tpu.memory_space<hbm>>
      %dma_start3A_697 = tpu.memref_slice %arg7[%dma_start3A_686] : memref<8x!tpu.dma_semaphore, #tpu.memory_space<semaphore_mem>> -> memref<1x!tpu.dma_semaphore, #tpu.memory_space<semaphore_mem>>
      %dma_start3A_698 = tpu.memref_squeeze %dma_start3A_697 : memref<1x!tpu.dma_semaphore, #tpu.memory_space<semaphore_mem>> -> memref<!tpu.dma_semaphore, #tpu.memory_space<semaphore_mem>>
      tpu.enqueue_indirect_dma source(%dma_start3A_696 : memref<1000000x64xf32, #tpu.memory_space<hbm>>) target(%dma_start3A_690 : memref<128x64xf32, #tpu.memory_space<vmem>>) offsets(%dma_start3A_693 : memref<128xi32, #tpu.memory_space<vmem>>) semaphore(%dma_start3A_698 : memref<!tpu.dma_semaphore, #tpu.memory_space<semaphore_mem>>)
      %dma_wait3A_699 = arith.constant 0 : i32
      %dma_wait3A_700 = arith.constant 5 : i32
      %dma_wait3A_701 = arith.constant 5 : i32
      %dma_wait3A_702 = arith.constant 0 : i32
      %dma_wait3A_703 = arith.constant 0 : i32
      %dma_wait3A_704 = tpu.memref_slice %arg6[%dma_wait3A_700, %dma_wait3A_702, %dma_wait3A_703] : memref<8x128x64xf32, #tpu.memory_space<vmem>> -> memref<1x128x64xf32, #tpu.memory_space<vmem>>
      %dma_wait3A_705 = tpu.memref_squeeze %dma_wait3A_704 : memref<1x128x64xf32, #tpu.memory_space<vmem>> -> memref<128x64xf32, #tpu.memory_space<vmem>>
      %dma_wait3A_706 = arith.constant 0 : i32
      %dma_wait3A_707 = tpu.memref_slice %arg5[%dma_wait3A_699, %dma_wait3A_706] : memref<200x128xi32, #tpu.memory_space<vmem>> -> memref<1x128xi32, #tpu.memory_space<vmem>>
      %dma_wait3A_708 = tpu.memref_squeeze %dma_wait3A_707 : memref<1x128xi32, #tpu.memory_space<vmem>> -> memref<128xi32, #tpu.memory_space<vmem>>
      %dma_wait3A_709 = arith.constant 0 : i32
      %dma_wait3A_710 = arith.constant 0 : i32
      %dma_wait3A_711 = tpu.memref_slice %arg3[%dma_wait3A_709, %dma_wait3A_710] : memref<1000000x64xf32, #tpu.memory_space<hbm>> -> memref<1000000x64xf32, #tpu.memory_space<hbm>>
      %dma_wait3A_712 = tpu.memref_slice %arg7[%dma_wait3A_701] : memref<8x!tpu.dma_semaphore, #tpu.memory_space<semaphore_mem>> -> memref<1x!tpu.dma_semaphore, #tpu.memory_space<semaphore_mem>>
      %dma_wait3A_713 = tpu.memref_squeeze %dma_wait3A_712 : memref<1x!tpu.dma_semaphore, #tpu.memory_space<semaphore_mem>> -> memref<!tpu.dma_semaphore, #tpu.memory_space<semaphore_mem>>
      tpu.wait_indirect_dma semaphore(%dma_wait3A_713 : memref<!tpu.dma_semaphore, #tpu.memory_space<semaphore_mem>>) src(%dma_wait3A_711 : memref<1000000x64xf32, #tpu.memory_space<hbm>>) dst(%dma_wait3A_705 : memref<128x64xf32, #tpu.memory_space<vmem>>)
      %dma_start3A_714 = arith.constant 5 : i32
      %dma_start3A_715 = arith.constant 5 : i32
      %dma_start3A_716 = arith.constant 0 : i32
      %dma_start3A_717 = arith.constant 0 : i32
      %dma_start3A_718 = tpu.memref_slice %arg6[%dma_start3A_714, %dma_start3A_716, %dma_start3A_717] : memref<8x128x64xf32, #tpu.memory_space<vmem>> -> memref<1x128x64xf32, #tpu.memory_space<vmem>>
      %dma_start3A_719 = tpu.memref_squeeze %dma_start3A_718 : memref<1x128x64xf32, #tpu.memory_space<vmem>> -> memref<128x64xf32, #tpu.memory_space<vmem>>
      %dma_start3A_720 = arith.constant 0 : i32
      %dma_start3A_721 = arith.constant 0 : i32
      %dma_start3A_722 = tpu.memref_slice %arg4[%add3A, %add3A_661, %dma_start3A_720, %dma_start3A_721] : memref<32x200x128x64xf32, #tpu.memory_space<hbm>> -> memref<1x1x128x64xf32, #tpu.memory_space<hbm>>
      %dma_start3A_723 = tpu.memref_squeeze %dma_start3A_722 : memref<1x1x128x64xf32, #tpu.memory_space<hbm>> -> memref<128x64xf32, #tpu.memory_space<hbm>>
      %dma_start3A_724 = tpu.memref_slice %arg8[%dma_start3A_715] : memref<8x!tpu.dma_semaphore, #tpu.memory_space<semaphore_mem>> -> memref<1x!tpu.dma_semaphore, #tpu.memory_space<semaphore_mem>>
      %dma_start3A_725 = tpu.memref_squeeze %dma_start3A_724 : memref<1x!tpu.dma_semaphore, #tpu.memory_space<semaphore_mem>> -> memref<!tpu.dma_semaphore, #tpu.memory_space<semaphore_mem>>
      %dma_start3A_726 = arith.constant 0 : i32
      %dma_start3A_727 = arith.constant 0 : i32
      %dma_start3A_728 = tpu.memref_slice %arg4[%add3A, %add3A_661, %dma_start3A_726, %dma_start3A_727] : memref<32x200x128x64xf32, #tpu.memory_space<hbm>> -> memref<1x1x128x64xf32, #tpu.memory_space<hbm>>
      %dma_start3A_729 = tpu.memref_squeeze %dma_start3A_728 : memref<1x1x128x64xf32, #tpu.memory_space<hbm>> -> memref<128x64xf32, #tpu.memory_space<hbm>>
      %dma_start3A_730 = arith.constant 0 : i32
      %dma_start3A_731 = arith.constant 0 : i32
      %dma_start3A_732 = tpu.memref_slice %arg6[%dma_start3A_714, %dma_start3A_730, %dma_start3A_731] : memref<8x128x64xf32, #tpu.memory_space<vmem>> -> memref<1x128x64xf32, #tpu.memory_space<vmem>>
      %dma_start3A_733 = tpu.memref_squeeze %dma_start3A_732 : memref<1x128x64xf32, #tpu.memory_space<vmem>> -> memref<128x64xf32, #tpu.memory_space<vmem>>
      tpu.enqueue_dma source(%dma_start3A_733 : memref<128x64xf32, #tpu.memory_space<vmem>>) target(%dma_start3A_729 : memref<128x64xf32, #tpu.memory_space<hbm>>) target_semaphore(%dma_start3A_725 : memref<!tpu.dma_semaphore, #tpu.memory_space<semaphore_mem>>)
      %add3A_734 = arith.constant 2 : i32
      %add3A_735 = arith.addi %add3A_585, %add3A_734 : i32
      %dma_wait3A_736 = arith.constant 2 : i32
      %dma_wait3A_737 = arith.constant 0 : i32
      %dma_wait3A_738 = arith.constant 2 : i32
      %dma_wait3A_739 = arith.constant 0 : i32
      %dma_wait3A_740 = arith.constant 0 : i32
      %dma_wait3A_741 = tpu.memref_slice %arg6[%dma_wait3A_736, %dma_wait3A_739, %dma_wait3A_740] : memref<8x128x64xf32, #tpu.memory_space<vmem>> -> memref<1x128x64xf32, #tpu.memory_space<vmem>>
      %dma_wait3A_742 = tpu.memref_squeeze %dma_wait3A_741 : memref<1x128x64xf32, #tpu.memory_space<vmem>> -> memref<128x64xf32, #tpu.memory_space<vmem>>
      %dma_wait3A_743 = arith.constant 0 : i32
      %dma_wait3A_744 = arith.constant 0 : i32
      %dma_wait3A_745 = tpu.memref_slice %arg4[%add3A, %dma_wait3A_737, %dma_wait3A_743, %dma_wait3A_744] : memref<32x200x128x64xf32, #tpu.memory_space<hbm>> -> memref<1x1x128x64xf32, #tpu.memory_space<hbm>>
      %dma_wait3A_746 = tpu.memref_squeeze %dma_wait3A_745 : memref<1x1x128x64xf32, #tpu.memory_space<hbm>> -> memref<128x64xf32, #tpu.memory_space<hbm>>
      %dma_wait3A_747 = tpu.memref_slice %arg8[%dma_wait3A_738] : memref<8x!tpu.dma_semaphore, #tpu.memory_space<semaphore_mem>> -> memref<1x!tpu.dma_semaphore, #tpu.memory_space<semaphore_mem>>
      %dma_wait3A_748 = tpu.memref_squeeze %dma_wait3A_747 : memref<1x!tpu.dma_semaphore, #tpu.memory_space<semaphore_mem>> -> memref<!tpu.dma_semaphore, #tpu.memory_space<semaphore_mem>>
      %dma_wait3A_749 = arith.constant 0 : i32
      %dma_wait3A_750 = arith.constant 0 : i32
      %dma_wait3A_751 = tpu.memref_slice %arg4[%add3A, %dma_wait3A_737, %dma_wait3A_749, %dma_wait3A_750] : memref<32x200x128x64xf32, #tpu.memory_space<hbm>> -> memref<1x1x128x64xf32, #tpu.memory_space<hbm>>
      %dma_wait3A_752 = tpu.memref_squeeze %dma_wait3A_751 : memref<1x1x128x64xf32, #tpu.memory_space<hbm>> -> memref<128x64xf32, #tpu.memory_space<hbm>>
      %dma_wait3A_753 = arith.constant 0 : i32
      %dma_wait3A_754 = arith.constant 0 : i32
      %dma_wait3A_755 = tpu.memref_slice %arg6[%dma_wait3A_736, %dma_wait3A_753, %dma_wait3A_754] : memref<8x128x64xf32, #tpu.memory_space<vmem>> -> memref<1x128x64xf32, #tpu.memory_space<vmem>>
      %dma_wait3A_756 = tpu.memref_squeeze %dma_wait3A_755 : memref<1x128x64xf32, #tpu.memory_space<vmem>> -> memref<128x64xf32, #tpu.memory_space<vmem>>
      tpu.wait_dma2 semaphore(%dma_wait3A_748 : memref<!tpu.dma_semaphore, #tpu.memory_space<semaphore_mem>>) src(%dma_wait3A_756 : memref<128x64xf32, #tpu.memory_space<vmem>>) dst(%dma_wait3A_752 : memref<128x64xf32, #tpu.memory_space<hbm>>)
      %add3A_757 = arith.constant 4 : i32
      %add3A_758 = arith.addi %add3A_735, %add3A_757 : i32
      %dma_start3A_759 = arith.constant 2 : i32
      %dma_start3A_760 = arith.constant 2 : i32
      %dma_start3A_761 = arith.constant 0 : i32
      %dma_start3A_762 = arith.constant 0 : i32
      %dma_start3A_763 = tpu.memref_slice %arg6[%dma_start3A_759, %dma_start3A_761, %dma_start3A_762] : memref<8x128x64xf32, #tpu.memory_space<vmem>> -> memref<1x128x64xf32, #tpu.memory_space<vmem>>
      %dma_start3A_764 = tpu.memref_squeeze %dma_start3A_763 : memref<1x128x64xf32, #tpu.memory_space<vmem>> -> memref<128x64xf32, #tpu.memory_space<vmem>>
      %dma_start3A_765 = arith.constant 0 : i32
      %dma_start3A_766 = tpu.memref_slice %arg5[%add3A_758, %dma_start3A_765] : memref<200x128xi32, #tpu.memory_space<vmem>> -> memref<1x128xi32, #tpu.memory_space<vmem>>
      %dma_start3A_767 = tpu.memref_squeeze %dma_start3A_766 : memref<1x128xi32, #tpu.memory_space<vmem>> -> memref<128xi32, #tpu.memory_space<vmem>>
      %dma_start3A_768 = arith.constant 0 : i32
      %dma_start3A_769 = arith.constant 0 : i32
      %dma_start3A_770 = tpu.memref_slice %arg3[%dma_start3A_768, %dma_start3A_769] : memref<1000000x64xf32, #tpu.memory_space<hbm>> -> memref<1000000x64xf32, #tpu.memory_space<hbm>>
      %dma_start3A_771 = tpu.memref_slice %arg7[%dma_start3A_760] : memref<8x!tpu.dma_semaphore, #tpu.memory_space<semaphore_mem>> -> memref<1x!tpu.dma_semaphore, #tpu.memory_space<semaphore_mem>>
      %dma_start3A_772 = tpu.memref_squeeze %dma_start3A_771 : memref<1x!tpu.dma_semaphore, #tpu.memory_space<semaphore_mem>> -> memref<!tpu.dma_semaphore, #tpu.memory_space<semaphore_mem>>
      tpu.enqueue_indirect_dma source(%dma_start3A_770 : memref<1000000x64xf32, #tpu.memory_space<hbm>>) target(%dma_start3A_764 : memref<128x64xf32, #tpu.memory_space<vmem>>) offsets(%dma_start3A_767 : memref<128xi32, #tpu.memory_space<vmem>>) semaphore(%dma_start3A_772 : memref<!tpu.dma_semaphore, #tpu.memory_space<semaphore_mem>>)
      %dma_wait3A_773 = arith.constant 0 : i32
      %dma_wait3A_774 = arith.constant 6 : i32
      %dma_wait3A_775 = arith.constant 6 : i32
      %dma_wait3A_776 = arith.constant 0 : i32
      %dma_wait3A_777 = arith.constant 0 : i32
      %dma_wait3A_778 = tpu.memref_slice %arg6[%dma_wait3A_774, %dma_wait3A_776, %dma_wait3A_777] : memref<8x128x64xf32, #tpu.memory_space<vmem>> -> memref<1x128x64xf32, #tpu.memory_space<vmem>>
      %dma_wait3A_779 = tpu.memref_squeeze %dma_wait3A_778 : memref<1x128x64xf32, #tpu.memory_space<vmem>> -> memref<128x64xf32, #tpu.memory_space<vmem>>
      %dma_wait3A_780 = arith.constant 0 : i32
      %dma_wait3A_781 = tpu.memref_slice %arg5[%dma_wait3A_773, %dma_wait3A_780] : memref<200x128xi32, #tpu.memory_space<vmem>> -> memref<1x128xi32, #tpu.memory_space<vmem>>
      %dma_wait3A_782 = tpu.memref_squeeze %dma_wait3A_781 : memref<1x128xi32, #tpu.memory_space<vmem>> -> memref<128xi32, #tpu.memory_space<vmem>>
      %dma_wait3A_783 = arith.constant 0 : i32
      %dma_wait3A_784 = arith.constant 0 : i32
      %dma_wait3A_785 = tpu.memref_slice %arg3[%dma_wait3A_783, %dma_wait3A_784] : memref<1000000x64xf32, #tpu.memory_space<hbm>> -> memref<1000000x64xf32, #tpu.memory_space<hbm>>
      %dma_wait3A_786 = tpu.memref_slice %arg7[%dma_wait3A_775] : memref<8x!tpu.dma_semaphore, #tpu.memory_space<semaphore_mem>> -> memref<1x!tpu.dma_semaphore, #tpu.memory_space<semaphore_mem>>
      %dma_wait3A_787 = tpu.memref_squeeze %dma_wait3A_786 : memref<1x!tpu.dma_semaphore, #tpu.memory_space<semaphore_mem>> -> memref<!tpu.dma_semaphore, #tpu.memory_space<semaphore_mem>>
      tpu.wait_indirect_dma semaphore(%dma_wait3A_787 : memref<!tpu.dma_semaphore, #tpu.memory_space<semaphore_mem>>) src(%dma_wait3A_785 : memref<1000000x64xf32, #tpu.memory_space<hbm>>) dst(%dma_wait3A_779 : memref<128x64xf32, #tpu.memory_space<vmem>>)
      %dma_start3A_788 = arith.constant 6 : i32
      %dma_start3A_789 = arith.constant 6 : i32
      %dma_start3A_790 = arith.constant 0 : i32
      %dma_start3A_791 = arith.constant 0 : i32
      %dma_start3A_792 = tpu.memref_slice %arg6[%dma_start3A_788, %dma_start3A_790, %dma_start3A_791] : memref<8x128x64xf32, #tpu.memory_space<vmem>> -> memref<1x128x64xf32, #tpu.memory_space<vmem>>
      %dma_start3A_793 = tpu.memref_squeeze %dma_start3A_792 : memref<1x128x64xf32, #tpu.memory_space<vmem>> -> memref<128x64xf32, #tpu.memory_space<vmem>>
      %dma_start3A_794 = arith.constant 0 : i32
      %dma_start3A_795 = arith.constant 0 : i32
      %dma_start3A_796 = tpu.memref_slice %arg4[%add3A, %add3A_735, %dma_start3A_794, %dma_start3A_795] : memref<32x200x128x64xf32, #tpu.memory_space<hbm>> -> memref<1x1x128x64xf32, #tpu.memory_space<hbm>>
      %dma_start3A_797 = tpu.memref_squeeze %dma_start3A_796 : memref<1x1x128x64xf32, #tpu.memory_space<hbm>> -> memref<128x64xf32, #tpu.memory_space<hbm>>
      %dma_start3A_798 = tpu.memref_slice %arg8[%dma_start3A_789] : memref<8x!tpu.dma_semaphore, #tpu.memory_space<semaphore_mem>> -> memref<1x!tpu.dma_semaphore, #tpu.memory_space<semaphore_mem>>
      %dma_start3A_799 = tpu.memref_squeeze %dma_start3A_798 : memref<1x!tpu.dma_semaphore, #tpu.memory_space<semaphore_mem>> -> memref<!tpu.dma_semaphore, #tpu.memory_space<semaphore_mem>>
      %dma_start3A_800 = arith.constant 0 : i32
      %dma_start3A_801 = arith.constant 0 : i32
      %dma_start3A_802 = tpu.memref_slice %arg4[%add3A, %add3A_735, %dma_start3A_800, %dma_start3A_801] : memref<32x200x128x64xf32, #tpu.memory_space<hbm>> -> memref<1x1x128x64xf32, #tpu.memory_space<hbm>>
      %dma_start3A_803 = tpu.memref_squeeze %dma_start3A_802 : memref<1x1x128x64xf32, #tpu.memory_space<hbm>> -> memref<128x64xf32, #tpu.memory_space<hbm>>
      %dma_start3A_804 = arith.constant 0 : i32
      %dma_start3A_805 = arith.constant 0 : i32
      %dma_start3A_806 = tpu.memref_slice %arg6[%dma_start3A_788, %dma_start3A_804, %dma_start3A_805] : memref<8x128x64xf32, #tpu.memory_space<vmem>> -> memref<1x128x64xf32, #tpu.memory_space<vmem>>
      %dma_start3A_807 = tpu.memref_squeeze %dma_start3A_806 : memref<1x128x64xf32, #tpu.memory_space<vmem>> -> memref<128x64xf32, #tpu.memory_space<vmem>>
      tpu.enqueue_dma source(%dma_start3A_807 : memref<128x64xf32, #tpu.memory_space<vmem>>) target(%dma_start3A_803 : memref<128x64xf32, #tpu.memory_space<hbm>>) target_semaphore(%dma_start3A_799 : memref<!tpu.dma_semaphore, #tpu.memory_space<semaphore_mem>>)
      %add3A_808 = arith.constant 3 : i32
      %add3A_809 = arith.addi %add3A_585, %add3A_808 : i32
      %dma_wait3A_810 = arith.constant 3 : i32
      %dma_wait3A_811 = arith.constant 0 : i32
      %dma_wait3A_812 = arith.constant 3 : i32
      %dma_wait3A_813 = arith.constant 0 : i32
      %dma_wait3A_814 = arith.constant 0 : i32
      %dma_wait3A_815 = tpu.memref_slice %arg6[%dma_wait3A_810, %dma_wait3A_813, %dma_wait3A_814] : memref<8x128x64xf32, #tpu.memory_space<vmem>> -> memref<1x128x64xf32, #tpu.memory_space<vmem>>
      %dma_wait3A_816 = tpu.memref_squeeze %dma_wait3A_815 : memref<1x128x64xf32, #tpu.memory_space<vmem>> -> memref<128x64xf32, #tpu.memory_space<vmem>>
      %dma_wait3A_817 = arith.constant 0 : i32
      %dma_wait3A_818 = arith.constant 0 : i32
      %dma_wait3A_819 = tpu.memref_slice %arg4[%add3A, %dma_wait3A_811, %dma_wait3A_817, %dma_wait3A_818] : memref<32x200x128x64xf32, #tpu.memory_space<hbm>> -> memref<1x1x128x64xf32, #tpu.memory_space<hbm>>
      %dma_wait3A_820 = tpu.memref_squeeze %dma_wait3A_819 : memref<1x1x128x64xf32, #tpu.memory_space<hbm>> -> memref<128x64xf32, #tpu.memory_space<hbm>>
      %dma_wait3A_821 = tpu.memref_slice %arg8[%dma_wait3A_812] : memref<8x!tpu.dma_semaphore, #tpu.memory_space<semaphore_mem>> -> memref<1x!tpu.dma_semaphore, #tpu.memory_space<semaphore_mem>>
      %dma_wait3A_822 = tpu.memref_squeeze %dma_wait3A_821 : memref<1x!tpu.dma_semaphore, #tpu.memory_space<semaphore_mem>> -> memref<!tpu.dma_semaphore, #tpu.memory_space<semaphore_mem>>
      %dma_wait3A_823 = arith.constant 0 : i32
      %dma_wait3A_824 = arith.constant 0 : i32
      %dma_wait3A_825 = tpu.memref_slice %arg4[%add3A, %dma_wait3A_811, %dma_wait3A_823, %dma_wait3A_824] : memref<32x200x128x64xf32, #tpu.memory_space<hbm>> -> memref<1x1x128x64xf32, #tpu.memory_space<hbm>>
      %dma_wait3A_826 = tpu.memref_squeeze %dma_wait3A_825 : memref<1x1x128x64xf32, #tpu.memory_space<hbm>> -> memref<128x64xf32, #tpu.memory_space<hbm>>
      %dma_wait3A_827 = arith.constant 0 : i32
      %dma_wait3A_828 = arith.constant 0 : i32
      %dma_wait3A_829 = tpu.memref_slice %arg6[%dma_wait3A_810, %dma_wait3A_827, %dma_wait3A_828] : memref<8x128x64xf32, #tpu.memory_space<vmem>> -> memref<1x128x64xf32, #tpu.memory_space<vmem>>
      %dma_wait3A_830 = tpu.memref_squeeze %dma_wait3A_829 : memref<1x128x64xf32, #tpu.memory_space<vmem>> -> memref<128x64xf32, #tpu.memory_space<vmem>>
      tpu.wait_dma2 semaphore(%dma_wait3A_822 : memref<!tpu.dma_semaphore, #tpu.memory_space<semaphore_mem>>) src(%dma_wait3A_830 : memref<128x64xf32, #tpu.memory_space<vmem>>) dst(%dma_wait3A_826 : memref<128x64xf32, #tpu.memory_space<hbm>>)
      %add3A_831 = arith.constant 4 : i32
      %add3A_832 = arith.addi %add3A_809, %add3A_831 : i32
      %dma_start3A_833 = arith.constant 3 : i32
      %dma_start3A_834 = arith.constant 3 : i32
      %dma_start3A_835 = arith.constant 0 : i32
      %dma_start3A_836 = arith.constant 0 : i32
      %dma_start3A_837 = tpu.memref_slice %arg6[%dma_start3A_833, %dma_start3A_835, %dma_start3A_836] : memref<8x128x64xf32, #tpu.memory_space<vmem>> -> memref<1x128x64xf32, #tpu.memory_space<vmem>>
      %dma_start3A_838 = tpu.memref_squeeze %dma_start3A_837 : memref<1x128x64xf32, #tpu.memory_space<vmem>> -> memref<128x64xf32, #tpu.memory_space<vmem>>
      %dma_start3A_839 = arith.constant 0 : i32
      %dma_start3A_840 = tpu.memref_slice %arg5[%add3A_832, %dma_start3A_839] : memref<200x128xi32, #tpu.memory_space<vmem>> -> memref<1x128xi32, #tpu.memory_space<vmem>>
      %dma_start3A_841 = tpu.memref_squeeze %dma_start3A_840 : memref<1x128xi32, #tpu.memory_space<vmem>> -> memref<128xi32, #tpu.memory_space<vmem>>
      %dma_start3A_842 = arith.constant 0 : i32
      %dma_start3A_843 = arith.constant 0 : i32
      %dma_start3A_844 = tpu.memref_slice %arg3[%dma_start3A_842, %dma_start3A_843] : memref<1000000x64xf32, #tpu.memory_space<hbm>> -> memref<1000000x64xf32, #tpu.memory_space<hbm>>
      %dma_start3A_845 = tpu.memref_slice %arg7[%dma_start3A_834] : memref<8x!tpu.dma_semaphore, #tpu.memory_space<semaphore_mem>> -> memref<1x!tpu.dma_semaphore, #tpu.memory_space<semaphore_mem>>
      %dma_start3A_846 = tpu.memref_squeeze %dma_start3A_845 : memref<1x!tpu.dma_semaphore, #tpu.memory_space<semaphore_mem>> -> memref<!tpu.dma_semaphore, #tpu.memory_space<semaphore_mem>>
      tpu.enqueue_indirect_dma source(%dma_start3A_844 : memref<1000000x64xf32, #tpu.memory_space<hbm>>) target(%dma_start3A_838 : memref<128x64xf32, #tpu.memory_space<vmem>>) offsets(%dma_start3A_841 : memref<128xi32, #tpu.memory_space<vmem>>) semaphore(%dma_start3A_846 : memref<!tpu.dma_semaphore, #tpu.memory_space<semaphore_mem>>)
      %dma_wait3A_847 = arith.constant 0 : i32
      %dma_wait3A_848 = arith.constant 7 : i32
      %dma_wait3A_849 = arith.constant 7 : i32
      %dma_wait3A_850 = arith.constant 0 : i32
      %dma_wait3A_851 = arith.constant 0 : i32
      %dma_wait3A_852 = tpu.memref_slice %arg6[%dma_wait3A_848, %dma_wait3A_850, %dma_wait3A_851] : memref<8x128x64xf32, #tpu.memory_space<vmem>> -> memref<1x128x64xf32, #tpu.memory_space<vmem>>
      %dma_wait3A_853 = tpu.memref_squeeze %dma_wait3A_852 : memref<1x128x64xf32, #tpu.memory_space<vmem>> -> memref<128x64xf32, #tpu.memory_space<vmem>>
      %dma_wait3A_854 = arith.constant 0 : i32
      %dma_wait3A_855 = tpu.memref_slice %arg5[%dma_wait3A_847, %dma_wait3A_854] : memref<200x128xi32, #tpu.memory_space<vmem>> -> memref<1x128xi32, #tpu.memory_space<vmem>>
      %dma_wait3A_856 = tpu.memref_squeeze %dma_wait3A_855 : memref<1x128xi32, #tpu.memory_space<vmem>> -> memref<128xi32, #tpu.memory_space<vmem>>
      %dma_wait3A_857 = arith.constant 0 : i32
      %dma_wait3A_858 = arith.constant 0 : i32
      %dma_wait3A_859 = tpu.memref_slice %arg3[%dma_wait3A_857, %dma_wait3A_858] : memref<1000000x64xf32, #tpu.memory_space<hbm>> -> memref<1000000x64xf32, #tpu.memory_space<hbm>>
      %dma_wait3A_860 = tpu.memref_slice %arg7[%dma_wait3A_849] : memref<8x!tpu.dma_semaphore, #tpu.memory_space<semaphore_mem>> -> memref<1x!tpu.dma_semaphore, #tpu.memory_space<semaphore_mem>>
      %dma_wait3A_861 = tpu.memref_squeeze %dma_wait3A_860 : memref<1x!tpu.dma_semaphore, #tpu.memory_space<semaphore_mem>> -> memref<!tpu.dma_semaphore, #tpu.memory_space<semaphore_mem>>
      tpu.wait_indirect_dma semaphore(%dma_wait3A_861 : memref<!tpu.dma_semaphore, #tpu.memory_space<semaphore_mem>>) src(%dma_wait3A_859 : memref<1000000x64xf32, #tpu.memory_space<hbm>>) dst(%dma_wait3A_853 : memref<128x64xf32, #tpu.memory_space<vmem>>)
      %dma_start3A_862 = arith.constant 7 : i32
      %dma_start3A_863 = arith.constant 7 : i32
      %dma_start3A_864 = arith.constant 0 : i32
      %dma_start3A_865 = arith.constant 0 : i32
      %dma_start3A_866 = tpu.memref_slice %arg6[%dma_start3A_862, %dma_start3A_864, %dma_start3A_865] : memref<8x128x64xf32, #tpu.memory_space<vmem>> -> memref<1x128x64xf32, #tpu.memory_space<vmem>>
      %dma_start3A_867 = tpu.memref_squeeze %dma_start3A_866 : memref<1x128x64xf32, #tpu.memory_space<vmem>> -> memref<128x64xf32, #tpu.memory_space<vmem>>
      %dma_start3A_868 = arith.constant 0 : i32
      %dma_start3A_869 = arith.constant 0 : i32
      %dma_start3A_870 = tpu.memref_slice %arg4[%add3A, %add3A_809, %dma_start3A_868, %dma_start3A_869] : memref<32x200x128x64xf32, #tpu.memory_space<hbm>> -> memref<1x1x128x64xf32, #tpu.memory_space<hbm>>
      %dma_start3A_871 = tpu.memref_squeeze %dma_start3A_870 : memref<1x1x128x64xf32, #tpu.memory_space<hbm>> -> memref<128x64xf32, #tpu.memory_space<hbm>>
      %dma_start3A_872 = tpu.memref_slice %arg8[%dma_start3A_863] : memref<8x!tpu.dma_semaphore, #tpu.memory_space<semaphore_mem>> -> memref<1x!tpu.dma_semaphore, #tpu.memory_space<semaphore_mem>>
      %dma_start3A_873 = tpu.memref_squeeze %dma_start3A_872 : memref<1x!tpu.dma_semaphore, #tpu.memory_space<semaphore_mem>> -> memref<!tpu.dma_semaphore, #tpu.memory_space<semaphore_mem>>
      %dma_start3A_874 = arith.constant 0 : i32
      %dma_start3A_875 = arith.constant 0 : i32
      %dma_start3A_876 = tpu.memref_slice %arg4[%add3A, %add3A_809, %dma_start3A_874, %dma_start3A_875] : memref<32x200x128x64xf32, #tpu.memory_space<hbm>> -> memref<1x1x128x64xf32, #tpu.memory_space<hbm>>
      %dma_start3A_877 = tpu.memref_squeeze %dma_start3A_876 : memref<1x1x128x64xf32, #tpu.memory_space<hbm>> -> memref<128x64xf32, #tpu.memory_space<hbm>>
      %dma_start3A_878 = arith.constant 0 : i32
      %dma_start3A_879 = arith.constant 0 : i32
      %dma_start3A_880 = tpu.memref_slice %arg6[%dma_start3A_862, %dma_start3A_878, %dma_start3A_879] : memref<8x128x64xf32, #tpu.memory_space<vmem>> -> memref<1x128x64xf32, #tpu.memory_space<vmem>>
      %dma_start3A_881 = tpu.memref_squeeze %dma_start3A_880 : memref<1x128x64xf32, #tpu.memory_space<vmem>> -> memref<128x64xf32, #tpu.memory_space<vmem>>
      tpu.enqueue_dma source(%dma_start3A_881 : memref<128x64xf32, #tpu.memory_space<vmem>>) target(%dma_start3A_877 : memref<128x64xf32, #tpu.memory_space<hbm>>) target_semaphore(%dma_start3A_873 : memref<!tpu.dma_semaphore, #tpu.memory_space<semaphore_mem>>)
      %add3A_882 = arith.constant 4 : i32
      %add3A_883 = arith.addi %add3A_585, %add3A_882 : i32
      %dma_wait3A_884 = arith.constant 4 : i32
      %dma_wait3A_885 = arith.constant 0 : i32
      %dma_wait3A_886 = arith.constant 4 : i32
      %dma_wait3A_887 = arith.constant 0 : i32
      %dma_wait3A_888 = arith.constant 0 : i32
      %dma_wait3A_889 = tpu.memref_slice %arg6[%dma_wait3A_884, %dma_wait3A_887, %dma_wait3A_888] : memref<8x128x64xf32, #tpu.memory_space<vmem>> -> memref<1x128x64xf32, #tpu.memory_space<vmem>>
      %dma_wait3A_890 = tpu.memref_squeeze %dma_wait3A_889 : memref<1x128x64xf32, #tpu.memory_space<vmem>> -> memref<128x64xf32, #tpu.memory_space<vmem>>
      %dma_wait3A_891 = arith.constant 0 : i32
      %dma_wait3A_892 = arith.constant 0 : i32
      %dma_wait3A_893 = tpu.memref_slice %arg4[%add3A, %dma_wait3A_885, %dma_wait3A_891, %dma_wait3A_892] : memref<32x200x128x64xf32, #tpu.memory_space<hbm>> -> memref<1x1x128x64xf32, #tpu.memory_space<hbm>>
      %dma_wait3A_894 = tpu.memref_squeeze %dma_wait3A_893 : memref<1x1x128x64xf32, #tpu.memory_space<hbm>> -> memref<128x64xf32, #tpu.memory_space<hbm>>
      %dma_wait3A_895 = tpu.memref_slice %arg8[%dma_wait3A_886] : memref<8x!tpu.dma_semaphore, #tpu.memory_space<semaphore_mem>> -> memref<1x!tpu.dma_semaphore, #tpu.memory_space<semaphore_mem>>
      %dma_wait3A_896 = tpu.memref_squeeze %dma_wait3A_895 : memref<1x!tpu.dma_semaphore, #tpu.memory_space<semaphore_mem>> -> memref<!tpu.dma_semaphore, #tpu.memory_space<semaphore_mem>>
      %dma_wait3A_897 = arith.constant 0 : i32
      %dma_wait3A_898 = arith.constant 0 : i32
      %dma_wait3A_899 = tpu.memref_slice %arg4[%add3A, %dma_wait3A_885, %dma_wait3A_897, %dma_wait3A_898] : memref<32x200x128x64xf32, #tpu.memory_space<hbm>> -> memref<1x1x128x64xf32, #tpu.memory_space<hbm>>
      %dma_wait3A_900 = tpu.memref_squeeze %dma_wait3A_899 : memref<1x1x128x64xf32, #tpu.memory_space<hbm>> -> memref<128x64xf32, #tpu.memory_space<hbm>>
      %dma_wait3A_901 = arith.constant 0 : i32
      %dma_wait3A_902 = arith.constant 0 : i32
      %dma_wait3A_903 = tpu.memref_slice %arg6[%dma_wait3A_884, %dma_wait3A_901, %dma_wait3A_902] : memref<8x128x64xf32, #tpu.memory_space<vmem>> -> memref<1x128x64xf32, #tpu.memory_space<vmem>>
      %dma_wait3A_904 = tpu.memref_squeeze %dma_wait3A_903 : memref<1x128x64xf32, #tpu.memory_space<vmem>> -> memref<128x64xf32, #tpu.memory_space<vmem>>
      tpu.wait_dma2 semaphore(%dma_wait3A_896 : memref<!tpu.dma_semaphore, #tpu.memory_space<semaphore_mem>>) src(%dma_wait3A_904 : memref<128x64xf32, #tpu.memory_space<vmem>>) dst(%dma_wait3A_900 : memref<128x64xf32, #tpu.memory_space<hbm>>)
      %add3A_905 = arith.constant 4 : i32
      %add3A_906 = arith.addi %add3A_883, %add3A_905 : i32
      %dma_start3A_907 = arith.constant 4 : i32
      %dma_start3A_908 = arith.constant 4 : i32
      %dma_start3A_909 = arith.constant 0 : i32
      %dma_start3A_910 = arith.constant 0 : i32
      %dma_start3A_911 = tpu.memref_slice %arg6[%dma_start3A_907, %dma_start3A_909, %dma_start3A_910] : memref<8x128x64xf32, #tpu.memory_space<vmem>> -> memref<1x128x64xf32, #tpu.memory_space<vmem>>
      %dma_start3A_912 = tpu.memref_squeeze %dma_start3A_911 : memref<1x128x64xf32, #tpu.memory_space<vmem>> -> memref<128x64xf32, #tpu.memory_space<vmem>>
      %dma_start3A_913 = arith.constant 0 : i32
      %dma_start3A_914 = tpu.memref_slice %arg5[%add3A_906, %dma_start3A_913] : memref<200x128xi32, #tpu.memory_space<vmem>> -> memref<1x128xi32, #tpu.memory_space<vmem>>
      %dma_start3A_915 = tpu.memref_squeeze %dma_start3A_914 : memref<1x128xi32, #tpu.memory_space<vmem>> -> memref<128xi32, #tpu.memory_space<vmem>>
      %dma_start3A_916 = arith.constant 0 : i32
      %dma_start3A_917 = arith.constant 0 : i32
      %dma_start3A_918 = tpu.memref_slice %arg3[%dma_start3A_916, %dma_start3A_917] : memref<1000000x64xf32, #tpu.memory_space<hbm>> -> memref<1000000x64xf32, #tpu.memory_space<hbm>>
      %dma_start3A_919 = tpu.memref_slice %arg7[%dma_start3A_908] : memref<8x!tpu.dma_semaphore, #tpu.memory_space<semaphore_mem>> -> memref<1x!tpu.dma_semaphore, #tpu.memory_space<semaphore_mem>>
      %dma_start3A_920 = tpu.memref_squeeze %dma_start3A_919 : memref<1x!tpu.dma_semaphore, #tpu.memory_space<semaphore_mem>> -> memref<!tpu.dma_semaphore, #tpu.memory_space<semaphore_mem>>
      tpu.enqueue_indirect_dma source(%dma_start3A_918 : memref<1000000x64xf32, #tpu.memory_space<hbm>>) target(%dma_start3A_912 : memref<128x64xf32, #tpu.memory_space<vmem>>) offsets(%dma_start3A_915 : memref<128xi32, #tpu.memory_space<vmem>>) semaphore(%dma_start3A_920 : memref<!tpu.dma_semaphore, #tpu.memory_space<semaphore_mem>>)
      %dma_wait3A_921 = arith.constant 0 : i32
      %dma_wait3A_922 = arith.constant 0 : i32
      %dma_wait3A_923 = arith.constant 0 : i32
      %dma_wait3A_924 = arith.constant 0 : i32
      %dma_wait3A_925 = arith.constant 0 : i32
      %dma_wait3A_926 = tpu.memref_slice %arg6[%dma_wait3A_922, %dma_wait3A_924, %dma_wait3A_925] : memref<8x128x64xf32, #tpu.memory_space<vmem>> -> memref<1x128x64xf32, #tpu.memory_space<vmem>>
      %dma_wait3A_927 = tpu.memref_squeeze %dma_wait3A_926 : memref<1x128x64xf32, #tpu.memory_space<vmem>> -> memref<128x64xf32, #tpu.memory_space<vmem>>
      %dma_wait3A_928 = arith.constant 0 : i32
      %dma_wait3A_929 = tpu.memref_slice %arg5[%dma_wait3A_921, %dma_wait3A_928] : memref<200x128xi32, #tpu.memory_space<vmem>> -> memref<1x128xi32, #tpu.memory_space<vmem>>
      %dma_wait3A_930 = tpu.memref_squeeze %dma_wait3A_929 : memref<1x128xi32, #tpu.memory_space<vmem>> -> memref<128xi32, #tpu.memory_space<vmem>>
      %dma_wait3A_931 = arith.constant 0 : i32
      %dma_wait3A_932 = arith.constant 0 : i32
      %dma_wait3A_933 = tpu.memref_slice %arg3[%dma_wait3A_931, %dma_wait3A_932] : memref<1000000x64xf32, #tpu.memory_space<hbm>> -> memref<1000000x64xf32, #tpu.memory_space<hbm>>
      %dma_wait3A_934 = tpu.memref_slice %arg7[%dma_wait3A_923] : memref<8x!tpu.dma_semaphore, #tpu.memory_space<semaphore_mem>> -> memref<1x!tpu.dma_semaphore, #tpu.memory_space<semaphore_mem>>
      %dma_wait3A_935 = tpu.memref_squeeze %dma_wait3A_934 : memref<1x!tpu.dma_semaphore, #tpu.memory_space<semaphore_mem>> -> memref<!tpu.dma_semaphore, #tpu.memory_space<semaphore_mem>>
      tpu.wait_indirect_dma semaphore(%dma_wait3A_935 : memref<!tpu.dma_semaphore, #tpu.memory_space<semaphore_mem>>) src(%dma_wait3A_933 : memref<1000000x64xf32, #tpu.memory_space<hbm>>) dst(%dma_wait3A_927 : memref<128x64xf32, #tpu.memory_space<vmem>>)
      %dma_start3A_936 = arith.constant 0 : i32
      %dma_start3A_937 = arith.constant 0 : i32
      %dma_start3A_938 = arith.constant 0 : i32
      %dma_start3A_939 = arith.constant 0 : i32
      %dma_start3A_940 = tpu.memref_slice %arg6[%dma_start3A_936, %dma_start3A_938, %dma_start3A_939] : memref<8x128x64xf32, #tpu.memory_space<vmem>> -> memref<1x128x64xf32, #tpu.memory_space<vmem>>
      %dma_start3A_941 = tpu.memref_squeeze %dma_start3A_940 : memref<1x128x64xf32, #tpu.memory_space<vmem>> -> memref<128x64xf32, #tpu.memory_space<vmem>>
      %dma_start3A_942 = arith.constant 0 : i32
      %dma_start3A_943 = arith.constant 0 : i32
      %dma_start3A_944 = tpu.memref_slice %arg4[%add3A, %add3A_883, %dma_start3A_942, %dma_start3A_943] : memref<32x200x128x64xf32, #tpu.memory_space<hbm>> -> memref<1x1x128x64xf32, #tpu.memory_space<hbm>>
      %dma_start3A_945 = tpu.memref_squeeze %dma_start3A_944 : memref<1x1x128x64xf32, #tpu.memory_space<hbm>> -> memref<128x64xf32, #tpu.memory_space<hbm>>
      %dma_start3A_946 = tpu.memref_slice %arg8[%dma_start3A_937] : memref<8x!tpu.dma_semaphore, #tpu.memory_space<semaphore_mem>> -> memref<1x!tpu.dma_semaphore, #tpu.memory_space<semaphore_mem>>
      %dma_start3A_947 = tpu.memref_squeeze %dma_start3A_946 : memref<1x!tpu.dma_semaphore, #tpu.memory_space<semaphore_mem>> -> memref<!tpu.dma_semaphore, #tpu.memory_space<semaphore_mem>>
      %dma_start3A_948 = arith.constant 0 : i32
      %dma_start3A_949 = arith.constant 0 : i32
      %dma_start3A_950 = tpu.memref_slice %arg4[%add3A, %add3A_883, %dma_start3A_948, %dma_start3A_949] : memref<32x200x128x64xf32, #tpu.memory_space<hbm>> -> memref<1x1x128x64xf32, #tpu.memory_space<hbm>>
      %dma_start3A_951 = tpu.memref_squeeze %dma_start3A_950 : memref<1x1x128x64xf32, #tpu.memory_space<hbm>> -> memref<128x64xf32, #tpu.memory_space<hbm>>
      %dma_start3A_952 = arith.constant 0 : i32
      %dma_start3A_953 = arith.constant 0 : i32
      %dma_start3A_954 = tpu.memref_slice %arg6[%dma_start3A_936, %dma_start3A_952, %dma_start3A_953] : memref<8x128x64xf32, #tpu.memory_space<vmem>> -> memref<1x128x64xf32, #tpu.memory_space<vmem>>
      %dma_start3A_955 = tpu.memref_squeeze %dma_start3A_954 : memref<1x128x64xf32, #tpu.memory_space<vmem>> -> memref<128x64xf32, #tpu.memory_space<vmem>>
      tpu.enqueue_dma source(%dma_start3A_955 : memref<128x64xf32, #tpu.memory_space<vmem>>) target(%dma_start3A_951 : memref<128x64xf32, #tpu.memory_space<hbm>>) target_semaphore(%dma_start3A_947 : memref<!tpu.dma_semaphore, #tpu.memory_space<semaphore_mem>>)
      %add3A_956 = arith.constant 5 : i32
      %add3A_957 = arith.addi %add3A_585, %add3A_956 : i32
      %dma_wait3A_958 = arith.constant 5 : i32
      %dma_wait3A_959 = arith.constant 0 : i32
      %dma_wait3A_960 = arith.constant 5 : i32
      %dma_wait3A_961 = arith.constant 0 : i32
      %dma_wait3A_962 = arith.constant 0 : i32
      %dma_wait3A_963 = tpu.memref_slice %arg6[%dma_wait3A_958, %dma_wait3A_961, %dma_wait3A_962] : memref<8x128x64xf32, #tpu.memory_space<vmem>> -> memref<1x128x64xf32, #tpu.memory_space<vmem>>
      %dma_wait3A_964 = tpu.memref_squeeze %dma_wait3A_963 : memref<1x128x64xf32, #tpu.memory_space<vmem>> -> memref<128x64xf32, #tpu.memory_space<vmem>>
      %dma_wait3A_965 = arith.constant 0 : i32
      %dma_wait3A_966 = arith.constant 0 : i32
      %dma_wait3A_967 = tpu.memref_slice %arg4[%add3A, %dma_wait3A_959, %dma_wait3A_965, %dma_wait3A_966] : memref<32x200x128x64xf32, #tpu.memory_space<hbm>> -> memref<1x1x128x64xf32, #tpu.memory_space<hbm>>
      %dma_wait3A_968 = tpu.memref_squeeze %dma_wait3A_967 : memref<1x1x128x64xf32, #tpu.memory_space<hbm>> -> memref<128x64xf32, #tpu.memory_space<hbm>>
      %dma_wait3A_969 = tpu.memref_slice %arg8[%dma_wait3A_960] : memref<8x!tpu.dma_semaphore, #tpu.memory_space<semaphore_mem>> -> memref<1x!tpu.dma_semaphore, #tpu.memory_space<semaphore_mem>>
      %dma_wait3A_970 = tpu.memref_squeeze %dma_wait3A_969 : memref<1x!tpu.dma_semaphore, #tpu.memory_space<semaphore_mem>> -> memref<!tpu.dma_semaphore, #tpu.memory_space<semaphore_mem>>
      %dma_wait3A_971 = arith.constant 0 : i32
      %dma_wait3A_972 = arith.constant 0 : i32
      %dma_wait3A_973 = tpu.memref_slice %arg4[%add3A, %dma_wait3A_959, %dma_wait3A_971, %dma_wait3A_972] : memref<32x200x128x64xf32, #tpu.memory_space<hbm>> -> memref<1x1x128x64xf32, #tpu.memory_space<hbm>>
      %dma_wait3A_974 = tpu.memref_squeeze %dma_wait3A_973 : memref<1x1x128x64xf32, #tpu.memory_space<hbm>> -> memref<128x64xf32, #tpu.memory_space<hbm>>
      %dma_wait3A_975 = arith.constant 0 : i32
      %dma_wait3A_976 = arith.constant 0 : i32
      %dma_wait3A_977 = tpu.memref_slice %arg6[%dma_wait3A_958, %dma_wait3A_975, %dma_wait3A_976] : memref<8x128x64xf32, #tpu.memory_space<vmem>> -> memref<1x128x64xf32, #tpu.memory_space<vmem>>
      %dma_wait3A_978 = tpu.memref_squeeze %dma_wait3A_977 : memref<1x128x64xf32, #tpu.memory_space<vmem>> -> memref<128x64xf32, #tpu.memory_space<vmem>>
      tpu.wait_dma2 semaphore(%dma_wait3A_970 : memref<!tpu.dma_semaphore, #tpu.memory_space<semaphore_mem>>) src(%dma_wait3A_978 : memref<128x64xf32, #tpu.memory_space<vmem>>) dst(%dma_wait3A_974 : memref<128x64xf32, #tpu.memory_space<hbm>>)
      %add3A_979 = arith.constant 4 : i32
      %add3A_980 = arith.addi %add3A_957, %add3A_979 : i32
      %dma_start3A_981 = arith.constant 5 : i32
      %dma_start3A_982 = arith.constant 5 : i32
      %dma_start3A_983 = arith.constant 0 : i32
      %dma_start3A_984 = arith.constant 0 : i32
      %dma_start3A_985 = tpu.memref_slice %arg6[%dma_start3A_981, %dma_start3A_983, %dma_start3A_984] : memref<8x128x64xf32, #tpu.memory_space<vmem>> -> memref<1x128x64xf32, #tpu.memory_space<vmem>>
      %dma_start3A_986 = tpu.memref_squeeze %dma_start3A_985 : memref<1x128x64xf32, #tpu.memory_space<vmem>> -> memref<128x64xf32, #tpu.memory_space<vmem>>
      %dma_start3A_987 = arith.constant 0 : i32
      %dma_start3A_988 = tpu.memref_slice %arg5[%add3A_980, %dma_start3A_987] : memref<200x128xi32, #tpu.memory_space<vmem>> -> memref<1x128xi32, #tpu.memory_space<vmem>>
      %dma_start3A_989 = tpu.memref_squeeze %dma_start3A_988 : memref<1x128xi32, #tpu.memory_space<vmem>> -> memref<128xi32, #tpu.memory_space<vmem>>
      %dma_start3A_990 = arith.constant 0 : i32
      %dma_start3A_991 = arith.constant 0 : i32
      %dma_start3A_992 = tpu.memref_slice %arg3[%dma_start3A_990, %dma_start3A_991] : memref<1000000x64xf32, #tpu.memory_space<hbm>> -> memref<1000000x64xf32, #tpu.memory_space<hbm>>
      %dma_start3A_993 = tpu.memref_slice %arg7[%dma_start3A_982] : memref<8x!tpu.dma_semaphore, #tpu.memory_space<semaphore_mem>> -> memref<1x!tpu.dma_semaphore, #tpu.memory_space<semaphore_mem>>
      %dma_start3A_994 = tpu.memref_squeeze %dma_start3A_993 : memref<1x!tpu.dma_semaphore, #tpu.memory_space<semaphore_mem>> -> memref<!tpu.dma_semaphore, #tpu.memory_space<semaphore_mem>>
      tpu.enqueue_indirect_dma source(%dma_start3A_992 : memref<1000000x64xf32, #tpu.memory_space<hbm>>) target(%dma_start3A_986 : memref<128x64xf32, #tpu.memory_space<vmem>>) offsets(%dma_start3A_989 : memref<128xi32, #tpu.memory_space<vmem>>) semaphore(%dma_start3A_994 : memref<!tpu.dma_semaphore, #tpu.memory_space<semaphore_mem>>)
      %dma_wait3A_995 = arith.constant 0 : i32
      %dma_wait3A_996 = arith.constant 1 : i32
      %dma_wait3A_997 = arith.constant 1 : i32
      %dma_wait3A_998 = arith.constant 0 : i32
      %dma_wait3A_999 = arith.constant 0 : i32
      %dma_wait3A_1000 = tpu.memref_slice %arg6[%dma_wait3A_996, %dma_wait3A_998, %dma_wait3A_999] : memref<8x128x64xf32, #tpu.memory_space<vmem>> -> memref<1x128x64xf32, #tpu.memory_space<vmem>>
      %dma_wait3A_1001 = tpu.memref_squeeze %dma_wait3A_1000 : memref<1x128x64xf32, #tpu.memory_space<vmem>> -> memref<128x64xf32, #tpu.memory_space<vmem>>
      %dma_wait3A_1002 = arith.constant 0 : i32
      %dma_wait3A_1003 = tpu.memref_slice %arg5[%dma_wait3A_995, %dma_wait3A_1002] : memref<200x128xi32, #tpu.memory_space<vmem>> -> memref<1x128xi32, #tpu.memory_space<vmem>>
      %dma_wait3A_1004 = tpu.memref_squeeze %dma_wait3A_1003 : memref<1x128xi32, #tpu.memory_space<vmem>> -> memref<128xi32, #tpu.memory_space<vmem>>
      %dma_wait3A_1005 = arith.constant 0 : i32
      %dma_wait3A_1006 = arith.constant 0 : i32
      %dma_wait3A_1007 = tpu.memref_slice %arg3[%dma_wait3A_1005, %dma_wait3A_1006] : memref<1000000x64xf32, #tpu.memory_space<hbm>> -> memref<1000000x64xf32, #tpu.memory_space<hbm>>
      %dma_wait3A_1008 = tpu.memref_slice %arg7[%dma_wait3A_997] : memref<8x!tpu.dma_semaphore, #tpu.memory_space<semaphore_mem>> -> memref<1x!tpu.dma_semaphore, #tpu.memory_space<semaphore_mem>>
      %dma_wait3A_1009 = tpu.memref_squeeze %dma_wait3A_1008 : memref<1x!tpu.dma_semaphore, #tpu.memory_space<semaphore_mem>> -> memref<!tpu.dma_semaphore, #tpu.memory_space<semaphore_mem>>
      tpu.wait_indirect_dma semaphore(%dma_wait3A_1009 : memref<!tpu.dma_semaphore, #tpu.memory_space<semaphore_mem>>) src(%dma_wait3A_1007 : memref<1000000x64xf32, #tpu.memory_space<hbm>>) dst(%dma_wait3A_1001 : memref<128x64xf32, #tpu.memory_space<vmem>>)
      %dma_start3A_1010 = arith.constant 1 : i32
      %dma_start3A_1011 = arith.constant 1 : i32
      %dma_start3A_1012 = arith.constant 0 : i32
      %dma_start3A_1013 = arith.constant 0 : i32
      %dma_start3A_1014 = tpu.memref_slice %arg6[%dma_start3A_1010, %dma_start3A_1012, %dma_start3A_1013] : memref<8x128x64xf32, #tpu.memory_space<vmem>> -> memref<1x128x64xf32, #tpu.memory_space<vmem>>
      %dma_start3A_1015 = tpu.memref_squeeze %dma_start3A_1014 : memref<1x128x64xf32, #tpu.memory_space<vmem>> -> memref<128x64xf32, #tpu.memory_space<vmem>>
      %dma_start3A_1016 = arith.constant 0 : i32
      %dma_start3A_1017 = arith.constant 0 : i32
      %dma_start3A_1018 = tpu.memref_slice %arg4[%add3A, %add3A_957, %dma_start3A_1016, %dma_start3A_1017] : memref<32x200x128x64xf32, #tpu.memory_space<hbm>> -> memref<1x1x128x64xf32, #tpu.memory_space<hbm>>
      %dma_start3A_1019 = tpu.memref_squeeze %dma_start3A_1018 : memref<1x1x128x64xf32, #tpu.memory_space<hbm>> -> memref<128x64xf32, #tpu.memory_space<hbm>>
      %dma_start3A_1020 = tpu.memref_slice %arg8[%dma_start3A_1011] : memref<8x!tpu.dma_semaphore, #tpu.memory_space<semaphore_mem>> -> memref<1x!tpu.dma_semaphore, #tpu.memory_space<semaphore_mem>>
      %dma_start3A_1021 = tpu.memref_squeeze %dma_start3A_1020 : memref<1x!tpu.dma_semaphore, #tpu.memory_space<semaphore_mem>> -> memref<!tpu.dma_semaphore, #tpu.memory_space<semaphore_mem>>
      %dma_start3A_1022 = arith.constant 0 : i32
      %dma_start3A_1023 = arith.constant 0 : i32
      %dma_start3A_1024 = tpu.memref_slice %arg4[%add3A, %add3A_957, %dma_start3A_1022, %dma_start3A_1023] : memref<32x200x128x64xf32, #tpu.memory_space<hbm>> -> memref<1x1x128x64xf32, #tpu.memory_space<hbm>>
      %dma_start3A_1025 = tpu.memref_squeeze %dma_start3A_1024 : memref<1x1x128x64xf32, #tpu.memory_space<hbm>> -> memref<128x64xf32, #tpu.memory_space<hbm>>
      %dma_start3A_1026 = arith.constant 0 : i32
      %dma_start3A_1027 = arith.constant 0 : i32
      %dma_start3A_1028 = tpu.memref_slice %arg6[%dma_start3A_1010, %dma_start3A_1026, %dma_start3A_1027] : memref<8x128x64xf32, #tpu.memory_space<vmem>> -> memref<1x128x64xf32, #tpu.memory_space<vmem>>
      %dma_start3A_1029 = tpu.memref_squeeze %dma_start3A_1028 : memref<1x128x64xf32, #tpu.memory_space<vmem>> -> memref<128x64xf32, #tpu.memory_space<vmem>>
      tpu.enqueue_dma source(%dma_start3A_1029 : memref<128x64xf32, #tpu.memory_space<vmem>>) target(%dma_start3A_1025 : memref<128x64xf32, #tpu.memory_space<hbm>>) target_semaphore(%dma_start3A_1021 : memref<!tpu.dma_semaphore, #tpu.memory_space<semaphore_mem>>)
      %add3A_1030 = arith.constant 6 : i32
      %add3A_1031 = arith.addi %add3A_585, %add3A_1030 : i32
      %dma_wait3A_1032 = arith.constant 6 : i32
      %dma_wait3A_1033 = arith.constant 0 : i32
      %dma_wait3A_1034 = arith.constant 6 : i32
      %dma_wait3A_1035 = arith.constant 0 : i32
      %dma_wait3A_1036 = arith.constant 0 : i32
      %dma_wait3A_1037 = tpu.memref_slice %arg6[%dma_wait3A_1032, %dma_wait3A_1035, %dma_wait3A_1036] : memref<8x128x64xf32, #tpu.memory_space<vmem>> -> memref<1x128x64xf32, #tpu.memory_space<vmem>>
      %dma_wait3A_1038 = tpu.memref_squeeze %dma_wait3A_1037 : memref<1x128x64xf32, #tpu.memory_space<vmem>> -> memref<128x64xf32, #tpu.memory_space<vmem>>
      %dma_wait3A_1039 = arith.constant 0 : i32
      %dma_wait3A_1040 = arith.constant 0 : i32
      %dma_wait3A_1041 = tpu.memref_slice %arg4[%add3A, %dma_wait3A_1033, %dma_wait3A_1039, %dma_wait3A_1040] : memref<32x200x128x64xf32, #tpu.memory_space<hbm>> -> memref<1x1x128x64xf32, #tpu.memory_space<hbm>>
      %dma_wait3A_1042 = tpu.memref_squeeze %dma_wait3A_1041 : memref<1x1x128x64xf32, #tpu.memory_space<hbm>> -> memref<128x64xf32, #tpu.memory_space<hbm>>
      %dma_wait3A_1043 = tpu.memref_slice %arg8[%dma_wait3A_1034] : memref<8x!tpu.dma_semaphore, #tpu.memory_space<semaphore_mem>> -> memref<1x!tpu.dma_semaphore, #tpu.memory_space<semaphore_mem>>
      %dma_wait3A_1044 = tpu.memref_squeeze %dma_wait3A_1043 : memref<1x!tpu.dma_semaphore, #tpu.memory_space<semaphore_mem>> -> memref<!tpu.dma_semaphore, #tpu.memory_space<semaphore_mem>>
      %dma_wait3A_1045 = arith.constant 0 : i32
      %dma_wait3A_1046 = arith.constant 0 : i32
      %dma_wait3A_1047 = tpu.memref_slice %arg4[%add3A, %dma_wait3A_1033, %dma_wait3A_1045, %dma_wait3A_1046] : memref<32x200x128x64xf32, #tpu.memory_space<hbm>> -> memref<1x1x128x64xf32, #tpu.memory_space<hbm>>
      %dma_wait3A_1048 = tpu.memref_squeeze %dma_wait3A_1047 : memref<1x1x128x64xf32, #tpu.memory_space<hbm>> -> memref<128x64xf32, #tpu.memory_space<hbm>>
      %dma_wait3A_1049 = arith.constant 0 : i32
      %dma_wait3A_1050 = arith.constant 0 : i32
      %dma_wait3A_1051 = tpu.memref_slice %arg6[%dma_wait3A_1032, %dma_wait3A_1049, %dma_wait3A_1050] : memref<8x128x64xf32, #tpu.memory_space<vmem>> -> memref<1x128x64xf32, #tpu.memory_space<vmem>>
      %dma_wait3A_1052 = tpu.memref_squeeze %dma_wait3A_1051 : memref<1x128x64xf32, #tpu.memory_space<vmem>> -> memref<128x64xf32, #tpu.memory_space<vmem>>
      tpu.wait_dma2 semaphore(%dma_wait3A_1044 : memref<!tpu.dma_semaphore, #tpu.memory_space<semaphore_mem>>) src(%dma_wait3A_1052 : memref<128x64xf32, #tpu.memory_space<vmem>>) dst(%dma_wait3A_1048 : memref<128x64xf32, #tpu.memory_space<hbm>>)
      %add3A_1053 = arith.constant 4 : i32
      %add3A_1054 = arith.addi %add3A_1031, %add3A_1053 : i32
      %dma_start3A_1055 = arith.constant 6 : i32
      %dma_start3A_1056 = arith.constant 6 : i32
      %dma_start3A_1057 = arith.constant 0 : i32
      %dma_start3A_1058 = arith.constant 0 : i32
      %dma_start3A_1059 = tpu.memref_slice %arg6[%dma_start3A_1055, %dma_start3A_1057, %dma_start3A_1058] : memref<8x128x64xf32, #tpu.memory_space<vmem>> -> memref<1x128x64xf32, #tpu.memory_space<vmem>>
      %dma_start3A_1060 = tpu.memref_squeeze %dma_start3A_1059 : memref<1x128x64xf32, #tpu.memory_space<vmem>> -> memref<128x64xf32, #tpu.memory_space<vmem>>
      %dma_start3A_1061 = arith.constant 0 : i32
      %dma_start3A_1062 = tpu.memref_slice %arg5[%add3A_1054, %dma_start3A_1061] : memref<200x128xi32, #tpu.memory_space<vmem>> -> memref<1x128xi32, #tpu.memory_space<vmem>>
      %dma_start3A_1063 = tpu.memref_squeeze %dma_start3A_1062 : memref<1x128xi32, #tpu.memory_space<vmem>> -> memref<128xi32, #tpu.memory_space<vmem>>
      %dma_start3A_1064 = arith.constant 0 : i32
      %dma_start3A_1065 = arith.constant 0 : i32
      %dma_start3A_1066 = tpu.memref_slice %arg3[%dma_start3A_1064, %dma_start3A_1065] : memref<1000000x64xf32, #tpu.memory_space<hbm>> -> memref<1000000x64xf32, #tpu.memory_space<hbm>>
      %dma_start3A_1067 = tpu.memref_slice %arg7[%dma_start3A_1056] : memref<8x!tpu.dma_semaphore, #tpu.memory_space<semaphore_mem>> -> memref<1x!tpu.dma_semaphore, #tpu.memory_space<semaphore_mem>>
      %dma_start3A_1068 = tpu.memref_squeeze %dma_start3A_1067 : memref<1x!tpu.dma_semaphore, #tpu.memory_space<semaphore_mem>> -> memref<!tpu.dma_semaphore, #tpu.memory_space<semaphore_mem>>
      tpu.enqueue_indirect_dma source(%dma_start3A_1066 : memref<1000000x64xf32, #tpu.memory_space<hbm>>) target(%dma_start3A_1060 : memref<128x64xf32, #tpu.memory_space<vmem>>) offsets(%dma_start3A_1063 : memref<128xi32, #tpu.memory_space<vmem>>) semaphore(%dma_start3A_1068 : memref<!tpu.dma_semaphore, #tpu.memory_space<semaphore_mem>>)
      %dma_wait3A_1069 = arith.constant 0 : i32
      %dma_wait3A_1070 = arith.constant 2 : i32
      %dma_wait3A_1071 = arith.constant 2 : i32
      %dma_wait3A_1072 = arith.constant 0 : i32
      %dma_wait3A_1073 = arith.constant 0 : i32
      %dma_wait3A_1074 = tpu.memref_slice %arg6[%dma_wait3A_1070, %dma_wait3A_1072, %dma_wait3A_1073] : memref<8x128x64xf32, #tpu.memory_space<vmem>> -> memref<1x128x64xf32, #tpu.memory_space<vmem>>
      %dma_wait3A_1075 = tpu.memref_squeeze %dma_wait3A_1074 : memref<1x128x64xf32, #tpu.memory_space<vmem>> -> memref<128x64xf32, #tpu.memory_space<vmem>>
      %dma_wait3A_1076 = arith.constant 0 : i32
      %dma_wait3A_1077 = tpu.memref_slice %arg5[%dma_wait3A_1069, %dma_wait3A_1076] : memref<200x128xi32, #tpu.memory_space<vmem>> -> memref<1x128xi32, #tpu.memory_space<vmem>>
      %dma_wait3A_1078 = tpu.memref_squeeze %dma_wait3A_1077 : memref<1x128xi32, #tpu.memory_space<vmem>> -> memref<128xi32, #tpu.memory_space<vmem>>
      %dma_wait3A_1079 = arith.constant 0 : i32
      %dma_wait3A_1080 = arith.constant 0 : i32
      %dma_wait3A_1081 = tpu.memref_slice %arg3[%dma_wait3A_1079, %dma_wait3A_1080] : memref<1000000x64xf32, #tpu.memory_space<hbm>> -> memref<1000000x64xf32, #tpu.memory_space<hbm>>
      %dma_wait3A_1082 = tpu.memref_slice %arg7[%dma_wait3A_1071] : memref<8x!tpu.dma_semaphore, #tpu.memory_space<semaphore_mem>> -> memref<1x!tpu.dma_semaphore, #tpu.memory_space<semaphore_mem>>
      %dma_wait3A_1083 = tpu.memref_squeeze %dma_wait3A_1082 : memref<1x!tpu.dma_semaphore, #tpu.memory_space<semaphore_mem>> -> memref<!tpu.dma_semaphore, #tpu.memory_space<semaphore_mem>>
      tpu.wait_indirect_dma semaphore(%dma_wait3A_1083 : memref<!tpu.dma_semaphore, #tpu.memory_space<semaphore_mem>>) src(%dma_wait3A_1081 : memref<1000000x64xf32, #tpu.memory_space<hbm>>) dst(%dma_wait3A_1075 : memref<128x64xf32, #tpu.memory_space<vmem>>)
      %dma_start3A_1084 = arith.constant 2 : i32
      %dma_start3A_1085 = arith.constant 2 : i32
      %dma_start3A_1086 = arith.constant 0 : i32
      %dma_start3A_1087 = arith.constant 0 : i32
      %dma_start3A_1088 = tpu.memref_slice %arg6[%dma_start3A_1084, %dma_start3A_1086, %dma_start3A_1087] : memref<8x128x64xf32, #tpu.memory_space<vmem>> -> memref<1x128x64xf32, #tpu.memory_space<vmem>>
      %dma_start3A_1089 = tpu.memref_squeeze %dma_start3A_1088 : memref<1x128x64xf32, #tpu.memory_space<vmem>> -> memref<128x64xf32, #tpu.memory_space<vmem>>
      %dma_start3A_1090 = arith.constant 0 : i32
      %dma_start3A_1091 = arith.constant 0 : i32
      %dma_start3A_1092 = tpu.memref_slice %arg4[%add3A, %add3A_1031, %dma_start3A_1090, %dma_start3A_1091] : memref<32x200x128x64xf32, #tpu.memory_space<hbm>> -> memref<1x1x128x64xf32, #tpu.memory_space<hbm>>
      %dma_start3A_1093 = tpu.memref_squeeze %dma_start3A_1092 : memref<1x1x128x64xf32, #tpu.memory_space<hbm>> -> memref<128x64xf32, #tpu.memory_space<hbm>>
      %dma_start3A_1094 = tpu.memref_slice %arg8[%dma_start3A_1085] : memref<8x!tpu.dma_semaphore, #tpu.memory_space<semaphore_mem>> -> memref<1x!tpu.dma_semaphore, #tpu.memory_space<semaphore_mem>>
      %dma_start3A_1095 = tpu.memref_squeeze %dma_start3A_1094 : memref<1x!tpu.dma_semaphore, #tpu.memory_space<semaphore_mem>> -> memref<!tpu.dma_semaphore, #tpu.memory_space<semaphore_mem>>
      %dma_start3A_1096 = arith.constant 0 : i32
      %dma_start3A_1097 = arith.constant 0 : i32
      %dma_start3A_1098 = tpu.memref_slice %arg4[%add3A, %add3A_1031, %dma_start3A_1096, %dma_start3A_1097] : memref<32x200x128x64xf32, #tpu.memory_space<hbm>> -> memref<1x1x128x64xf32, #tpu.memory_space<hbm>>
      %dma_start3A_1099 = tpu.memref_squeeze %dma_start3A_1098 : memref<1x1x128x64xf32, #tpu.memory_space<hbm>> -> memref<128x64xf32, #tpu.memory_space<hbm>>
      %dma_start3A_1100 = arith.constant 0 : i32
      %dma_start3A_1101 = arith.constant 0 : i32
      %dma_start3A_1102 = tpu.memref_slice %arg6[%dma_start3A_1084, %dma_start3A_1100, %dma_start3A_1101] : memref<8x128x64xf32, #tpu.memory_space<vmem>> -> memref<1x128x64xf32, #tpu.memory_space<vmem>>
      %dma_start3A_1103 = tpu.memref_squeeze %dma_start3A_1102 : memref<1x128x64xf32, #tpu.memory_space<vmem>> -> memref<128x64xf32, #tpu.memory_space<vmem>>
      tpu.enqueue_dma source(%dma_start3A_1103 : memref<128x64xf32, #tpu.memory_space<vmem>>) target(%dma_start3A_1099 : memref<128x64xf32, #tpu.memory_space<hbm>>) target_semaphore(%dma_start3A_1095 : memref<!tpu.dma_semaphore, #tpu.memory_space<semaphore_mem>>)
      %add3A_1104 = arith.constant 7 : i32
      %add3A_1105 = arith.addi %add3A_585, %add3A_1104 : i32
      %dma_wait3A_1106 = arith.constant 7 : i32
      %dma_wait3A_1107 = arith.constant 0 : i32
      %dma_wait3A_1108 = arith.constant 7 : i32
      %dma_wait3A_1109 = arith.constant 0 : i32
      %dma_wait3A_1110 = arith.constant 0 : i32
      %dma_wait3A_1111 = tpu.memref_slice %arg6[%dma_wait3A_1106, %dma_wait3A_1109, %dma_wait3A_1110] : memref<8x128x64xf32, #tpu.memory_space<vmem>> -> memref<1x128x64xf32, #tpu.memory_space<vmem>>
      %dma_wait3A_1112 = tpu.memref_squeeze %dma_wait3A_1111 : memref<1x128x64xf32, #tpu.memory_space<vmem>> -> memref<128x64xf32, #tpu.memory_space<vmem>>
      %dma_wait3A_1113 = arith.constant 0 : i32
      %dma_wait3A_1114 = arith.constant 0 : i32
      %dma_wait3A_1115 = tpu.memref_slice %arg4[%add3A, %dma_wait3A_1107, %dma_wait3A_1113, %dma_wait3A_1114] : memref<32x200x128x64xf32, #tpu.memory_space<hbm>> -> memref<1x1x128x64xf32, #tpu.memory_space<hbm>>
      %dma_wait3A_1116 = tpu.memref_squeeze %dma_wait3A_1115 : memref<1x1x128x64xf32, #tpu.memory_space<hbm>> -> memref<128x64xf32, #tpu.memory_space<hbm>>
      %dma_wait3A_1117 = tpu.memref_slice %arg8[%dma_wait3A_1108] : memref<8x!tpu.dma_semaphore, #tpu.memory_space<semaphore_mem>> -> memref<1x!tpu.dma_semaphore, #tpu.memory_space<semaphore_mem>>
      %dma_wait3A_1118 = tpu.memref_squeeze %dma_wait3A_1117 : memref<1x!tpu.dma_semaphore, #tpu.memory_space<semaphore_mem>> -> memref<!tpu.dma_semaphore, #tpu.memory_space<semaphore_mem>>
      %dma_wait3A_1119 = arith.constant 0 : i32
      %dma_wait3A_1120 = arith.constant 0 : i32
      %dma_wait3A_1121 = tpu.memref_slice %arg4[%add3A, %dma_wait3A_1107, %dma_wait3A_1119, %dma_wait3A_1120] : memref<32x200x128x64xf32, #tpu.memory_space<hbm>> -> memref<1x1x128x64xf32, #tpu.memory_space<hbm>>
      %dma_wait3A_1122 = tpu.memref_squeeze %dma_wait3A_1121 : memref<1x1x128x64xf32, #tpu.memory_space<hbm>> -> memref<128x64xf32, #tpu.memory_space<hbm>>
      %dma_wait3A_1123 = arith.constant 0 : i32
      %dma_wait3A_1124 = arith.constant 0 : i32
      %dma_wait3A_1125 = tpu.memref_slice %arg6[%dma_wait3A_1106, %dma_wait3A_1123, %dma_wait3A_1124] : memref<8x128x64xf32, #tpu.memory_space<vmem>> -> memref<1x128x64xf32, #tpu.memory_space<vmem>>
      %dma_wait3A_1126 = tpu.memref_squeeze %dma_wait3A_1125 : memref<1x128x64xf32, #tpu.memory_space<vmem>> -> memref<128x64xf32, #tpu.memory_space<vmem>>
      tpu.wait_dma2 semaphore(%dma_wait3A_1118 : memref<!tpu.dma_semaphore, #tpu.memory_space<semaphore_mem>>) src(%dma_wait3A_1126 : memref<128x64xf32, #tpu.memory_space<vmem>>) dst(%dma_wait3A_1122 : memref<128x64xf32, #tpu.memory_space<hbm>>)
      %add3A_1127 = arith.constant 4 : i32
      %add3A_1128 = arith.addi %add3A_1105, %add3A_1127 : i32
      %dma_start3A_1129 = arith.constant 7 : i32
      %dma_start3A_1130 = arith.constant 7 : i32
      %dma_start3A_1131 = arith.constant 0 : i32
      %dma_start3A_1132 = arith.constant 0 : i32
      %dma_start3A_1133 = tpu.memref_slice %arg6[%dma_start3A_1129, %dma_start3A_1131, %dma_start3A_1132] : memref<8x128x64xf32, #tpu.memory_space<vmem>> -> memref<1x128x64xf32, #tpu.memory_space<vmem>>
      %dma_start3A_1134 = tpu.memref_squeeze %dma_start3A_1133 : memref<1x128x64xf32, #tpu.memory_space<vmem>> -> memref<128x64xf32, #tpu.memory_space<vmem>>
      %dma_start3A_1135 = arith.constant 0 : i32
      %dma_start3A_1136 = tpu.memref_slice %arg5[%add3A_1128, %dma_start3A_1135] : memref<200x128xi32, #tpu.memory_space<vmem>> -> memref<1x128xi32, #tpu.memory_space<vmem>>
      %dma_start3A_1137 = tpu.memref_squeeze %dma_start3A_1136 : memref<1x128xi32, #tpu.memory_space<vmem>> -> memref<128xi32, #tpu.memory_space<vmem>>
      %dma_start3A_1138 = arith.constant 0 : i32
      %dma_start3A_1139 = arith.constant 0 : i32
      %dma_start3A_1140 = tpu.memref_slice %arg3[%dma_start3A_1138, %dma_start3A_1139] : memref<1000000x64xf32, #tpu.memory_space<hbm>> -> memref<1000000x64xf32, #tpu.memory_space<hbm>>
      %dma_start3A_1141 = tpu.memref_slice %arg7[%dma_start3A_1130] : memref<8x!tpu.dma_semaphore, #tpu.memory_space<semaphore_mem>> -> memref<1x!tpu.dma_semaphore, #tpu.memory_space<semaphore_mem>>
      %dma_start3A_1142 = tpu.memref_squeeze %dma_start3A_1141 : memref<1x!tpu.dma_semaphore, #tpu.memory_space<semaphore_mem>> -> memref<!tpu.dma_semaphore, #tpu.memory_space<semaphore_mem>>
      tpu.enqueue_indirect_dma source(%dma_start3A_1140 : memref<1000000x64xf32, #tpu.memory_space<hbm>>) target(%dma_start3A_1134 : memref<128x64xf32, #tpu.memory_space<vmem>>) offsets(%dma_start3A_1137 : memref<128xi32, #tpu.memory_space<vmem>>) semaphore(%dma_start3A_1142 : memref<!tpu.dma_semaphore, #tpu.memory_space<semaphore_mem>>)
      %dma_wait3A_1143 = arith.constant 0 : i32
      %dma_wait3A_1144 = arith.constant 3 : i32
      %dma_wait3A_1145 = arith.constant 3 : i32
      %dma_wait3A_1146 = arith.constant 0 : i32
      %dma_wait3A_1147 = arith.constant 0 : i32
      %dma_wait3A_1148 = tpu.memref_slice %arg6[%dma_wait3A_1144, %dma_wait3A_1146, %dma_wait3A_1147] : memref<8x128x64xf32, #tpu.memory_space<vmem>> -> memref<1x128x64xf32, #tpu.memory_space<vmem>>
      %dma_wait3A_1149 = tpu.memref_squeeze %dma_wait3A_1148 : memref<1x128x64xf32, #tpu.memory_space<vmem>> -> memref<128x64xf32, #tpu.memory_space<vmem>>
      %dma_wait3A_1150 = arith.constant 0 : i32
      %dma_wait3A_1151 = tpu.memref_slice %arg5[%dma_wait3A_1143, %dma_wait3A_1150] : memref<200x128xi32, #tpu.memory_space<vmem>> -> memref<1x128xi32, #tpu.memory_space<vmem>>
      %dma_wait3A_1152 = tpu.memref_squeeze %dma_wait3A_1151 : memref<1x128xi32, #tpu.memory_space<vmem>> -> memref<128xi32, #tpu.memory_space<vmem>>
      %dma_wait3A_1153 = arith.constant 0 : i32
      %dma_wait3A_1154 = arith.constant 0 : i32
      %dma_wait3A_1155 = tpu.memref_slice %arg3[%dma_wait3A_1153, %dma_wait3A_1154] : memref<1000000x64xf32, #tpu.memory_space<hbm>> -> memref<1000000x64xf32, #tpu.memory_space<hbm>>
      %dma_wait3A_1156 = tpu.memref_slice %arg7[%dma_wait3A_1145] : memref<8x!tpu.dma_semaphore, #tpu.memory_space<semaphore_mem>> -> memref<1x!tpu.dma_semaphore, #tpu.memory_space<semaphore_mem>>
      %dma_wait3A_1157 = tpu.memref_squeeze %dma_wait3A_1156 : memref<1x!tpu.dma_semaphore, #tpu.memory_space<semaphore_mem>> -> memref<!tpu.dma_semaphore, #tpu.memory_space<semaphore_mem>>
      tpu.wait_indirect_dma semaphore(%dma_wait3A_1157 : memref<!tpu.dma_semaphore, #tpu.memory_space<semaphore_mem>>) src(%dma_wait3A_1155 : memref<1000000x64xf32, #tpu.memory_space<hbm>>) dst(%dma_wait3A_1149 : memref<128x64xf32, #tpu.memory_space<vmem>>)
      %dma_start3A_1158 = arith.constant 3 : i32
      %dma_start3A_1159 = arith.constant 3 : i32
      %dma_start3A_1160 = arith.constant 0 : i32
      %dma_start3A_1161 = arith.constant 0 : i32
      %dma_start3A_1162 = tpu.memref_slice %arg6[%dma_start3A_1158, %dma_start3A_1160, %dma_start3A_1161] : memref<8x128x64xf32, #tpu.memory_space<vmem>> -> memref<1x128x64xf32, #tpu.memory_space<vmem>>
      %dma_start3A_1163 = tpu.memref_squeeze %dma_start3A_1162 : memref<1x128x64xf32, #tpu.memory_space<vmem>> -> memref<128x64xf32, #tpu.memory_space<vmem>>
      %dma_start3A_1164 = arith.constant 0 : i32
      %dma_start3A_1165 = arith.constant 0 : i32
      %dma_start3A_1166 = tpu.memref_slice %arg4[%add3A, %add3A_1105, %dma_start3A_1164, %dma_start3A_1165] : memref<32x200x128x64xf32, #tpu.memory_space<hbm>> -> memref<1x1x128x64xf32, #tpu.memory_space<hbm>>
      %dma_start3A_1167 = tpu.memref_squeeze %dma_start3A_1166 : memref<1x1x128x64xf32, #tpu.memory_space<hbm>> -> memref<128x64xf32, #tpu.memory_space<hbm>>
      %dma_start3A_1168 = tpu.memref_slice %arg8[%dma_start3A_1159] : memref<8x!tpu.dma_semaphore, #tpu.memory_space<semaphore_mem>> -> memref<1x!tpu.dma_semaphore, #tpu.memory_space<semaphore_mem>>
      %dma_start3A_1169 = tpu.memref_squeeze %dma_start3A_1168 : memref<1x!tpu.dma_semaphore, #tpu.memory_space<semaphore_mem>> -> memref<!tpu.dma_semaphore, #tpu.memory_space<semaphore_mem>>
      %dma_start3A_1170 = arith.constant 0 : i32
      %dma_start3A_1171 = arith.constant 0 : i32
      %dma_start3A_1172 = tpu.memref_slice %arg4[%add3A, %add3A_1105, %dma_start3A_1170, %dma_start3A_1171] : memref<32x200x128x64xf32, #tpu.memory_space<hbm>> -> memref<1x1x128x64xf32, #tpu.memory_space<hbm>>
      %dma_start3A_1173 = tpu.memref_squeeze %dma_start3A_1172 : memref<1x1x128x64xf32, #tpu.memory_space<hbm>> -> memref<128x64xf32, #tpu.memory_space<hbm>>
      %dma_start3A_1174 = arith.constant 0 : i32
      %dma_start3A_1175 = arith.constant 0 : i32
      %dma_start3A_1176 = tpu.memref_slice %arg6[%dma_start3A_1158, %dma_start3A_1174, %dma_start3A_1175] : memref<8x128x64xf32, #tpu.memory_space<vmem>> -> memref<1x128x64xf32, #tpu.memory_space<vmem>>
      %dma_start3A_1177 = tpu.memref_squeeze %dma_start3A_1176 : memref<1x128x64xf32, #tpu.memory_space<vmem>> -> memref<128x64xf32, #tpu.memory_space<vmem>>
      tpu.enqueue_dma source(%dma_start3A_1177 : memref<128x64xf32, #tpu.memory_space<vmem>>) target(%dma_start3A_1173 : memref<128x64xf32, #tpu.memory_space<hbm>>) target_semaphore(%dma_start3A_1169 : memref<!tpu.dma_semaphore, #tpu.memory_space<semaphore_mem>>)
    }
    %scan3A_267 = arith.constant 24 : i32
    %dma_wait3A_268 = arith.constant 0 : i32
    %dma_wait3A_269 = arith.constant 0 : i32
    %dma_wait3A_270 = arith.constant 0 : i32
    %dma_wait3A_271 = arith.constant 0 : i32
    %dma_wait3A_272 = arith.constant 0 : i32
    %dma_wait3A_273 = tpu.memref_slice %arg6[%dma_wait3A_268, %dma_wait3A_271, %dma_wait3A_272] : memref<8x128x64xf32, #tpu.memory_space<vmem>> -> memref<1x128x64xf32, #tpu.memory_space<vmem>>
    %dma_wait3A_274 = tpu.memref_squeeze %dma_wait3A_273 : memref<1x128x64xf32, #tpu.memory_space<vmem>> -> memref<128x64xf32, #tpu.memory_space<vmem>>
    %dma_wait3A_275 = arith.constant 0 : i32
    %dma_wait3A_276 = arith.constant 0 : i32
    %dma_wait3A_277 = tpu.memref_slice %arg4[%add3A, %dma_wait3A_269, %dma_wait3A_275, %dma_wait3A_276] : memref<32x200x128x64xf32, #tpu.memory_space<hbm>> -> memref<1x1x128x64xf32, #tpu.memory_space<hbm>>
    %dma_wait3A_278 = tpu.memref_squeeze %dma_wait3A_277 : memref<1x1x128x64xf32, #tpu.memory_space<hbm>> -> memref<128x64xf32, #tpu.memory_space<hbm>>
    %dma_wait3A_279 = tpu.memref_slice %arg8[%dma_wait3A_270] : memref<8x!tpu.dma_semaphore, #tpu.memory_space<semaphore_mem>> -> memref<1x!tpu.dma_semaphore, #tpu.memory_space<semaphore_mem>>
    %dma_wait3A_280 = tpu.memref_squeeze %dma_wait3A_279 : memref<1x!tpu.dma_semaphore, #tpu.memory_space<semaphore_mem>> -> memref<!tpu.dma_semaphore, #tpu.memory_space<semaphore_mem>>
    %dma_wait3A_281 = arith.constant 0 : i32
    %dma_wait3A_282 = arith.constant 0 : i32
    %dma_wait3A_283 = tpu.memref_slice %arg4[%add3A, %dma_wait3A_269, %dma_wait3A_281, %dma_wait3A_282] : memref<32x200x128x64xf32, #tpu.memory_space<hbm>> -> memref<1x1x128x64xf32, #tpu.memory_space<hbm>>
    %dma_wait3A_284 = tpu.memref_squeeze %dma_wait3A_283 : memref<1x1x128x64xf32, #tpu.memory_space<hbm>> -> memref<128x64xf32, #tpu.memory_space<hbm>>
    %dma_wait3A_285 = arith.constant 0 : i32
    %dma_wait3A_286 = arith.constant 0 : i32
    %dma_wait3A_287 = tpu.memref_slice %arg6[%dma_wait3A_268, %dma_wait3A_285, %dma_wait3A_286] : memref<8x128x64xf32, #tpu.memory_space<vmem>> -> memref<1x128x64xf32, #tpu.memory_space<vmem>>
    %dma_wait3A_288 = tpu.memref_squeeze %dma_wait3A_287 : memref<1x128x64xf32, #tpu.memory_space<vmem>> -> memref<128x64xf32, #tpu.memory_space<vmem>>
    tpu.wait_dma2 semaphore(%dma_wait3A_280 : memref<!tpu.dma_semaphore, #tpu.memory_space<semaphore_mem>>) src(%dma_wait3A_288 : memref<128x64xf32, #tpu.memory_space<vmem>>) dst(%dma_wait3A_284 : memref<128x64xf32, #tpu.memory_space<hbm>>)
    %dma_wait3A_289 = arith.constant 0 : i32
    %dma_wait3A_290 = arith.constant 4 : i32
    %dma_wait3A_291 = arith.constant 4 : i32
    %dma_wait3A_292 = arith.constant 0 : i32
    %dma_wait3A_293 = arith.constant 0 : i32
    %dma_wait3A_294 = tpu.memref_slice %arg6[%dma_wait3A_290, %dma_wait3A_292, %dma_wait3A_293] : memref<8x128x64xf32, #tpu.memory_space<vmem>> -> memref<1x128x64xf32, #tpu.memory_space<vmem>>
    %dma_wait3A_295 = tpu.memref_squeeze %dma_wait3A_294 : memref<1x128x64xf32, #tpu.memory_space<vmem>> -> memref<128x64xf32, #tpu.memory_space<vmem>>
    %dma_wait3A_296 = arith.constant 0 : i32
    %dma_wait3A_297 = tpu.memref_slice %arg5[%dma_wait3A_289, %dma_wait3A_296] : memref<200x128xi32, #tpu.memory_space<vmem>> -> memref<1x128xi32, #tpu.memory_space<vmem>>
    %dma_wait3A_298 = tpu.memref_squeeze %dma_wait3A_297 : memref<1x128xi32, #tpu.memory_space<vmem>> -> memref<128xi32, #tpu.memory_space<vmem>>
    %dma_wait3A_299 = arith.constant 0 : i32
    %dma_wait3A_300 = arith.constant 0 : i32
    %dma_wait3A_301 = tpu.memref_slice %arg3[%dma_wait3A_299, %dma_wait3A_300] : memref<1000000x64xf32, #tpu.memory_space<hbm>> -> memref<1000000x64xf32, #tpu.memory_space<hbm>>
    %dma_wait3A_302 = tpu.memref_slice %arg7[%dma_wait3A_291] : memref<8x!tpu.dma_semaphore, #tpu.memory_space<semaphore_mem>> -> memref<1x!tpu.dma_semaphore, #tpu.memory_space<semaphore_mem>>
    %dma_wait3A_303 = tpu.memref_squeeze %dma_wait3A_302 : memref<1x!tpu.dma_semaphore, #tpu.memory_space<semaphore_mem>> -> memref<!tpu.dma_semaphore, #tpu.memory_space<semaphore_mem>>
    tpu.wait_indirect_dma semaphore(%dma_wait3A_303 : memref<!tpu.dma_semaphore, #tpu.memory_space<semaphore_mem>>) src(%dma_wait3A_301 : memref<1000000x64xf32, #tpu.memory_space<hbm>>) dst(%dma_wait3A_295 : memref<128x64xf32, #tpu.memory_space<vmem>>)
    %dma_start3A_304 = arith.constant 4 : i32
    %dma_start3A_305 = arith.constant 196 : i32
    %dma_start3A_306 = arith.constant 4 : i32
    %dma_start3A_307 = arith.constant 0 : i32
    %dma_start3A_308 = arith.constant 0 : i32
    %dma_start3A_309 = tpu.memref_slice %arg6[%dma_start3A_304, %dma_start3A_307, %dma_start3A_308] : memref<8x128x64xf32, #tpu.memory_space<vmem>> -> memref<1x128x64xf32, #tpu.memory_space<vmem>>
    %dma_start3A_310 = tpu.memref_squeeze %dma_start3A_309 : memref<1x128x64xf32, #tpu.memory_space<vmem>> -> memref<128x64xf32, #tpu.memory_space<vmem>>
    %dma_start3A_311 = arith.constant 0 : i32
    %dma_start3A_312 = arith.constant 0 : i32
    %dma_start3A_313 = tpu.memref_slice %arg4[%add3A, %dma_start3A_305, %dma_start3A_311, %dma_start3A_312] : memref<32x200x128x64xf32, #tpu.memory_space<hbm>> -> memref<1x1x128x64xf32, #tpu.memory_space<hbm>>
    %dma_start3A_314 = tpu.memref_squeeze %dma_start3A_313 : memref<1x1x128x64xf32, #tpu.memory_space<hbm>> -> memref<128x64xf32, #tpu.memory_space<hbm>>
    %dma_start3A_315 = tpu.memref_slice %arg8[%dma_start3A_306] : memref<8x!tpu.dma_semaphore, #tpu.memory_space<semaphore_mem>> -> memref<1x!tpu.dma_semaphore, #tpu.memory_space<semaphore_mem>>
    %dma_start3A_316 = tpu.memref_squeeze %dma_start3A_315 : memref<1x!tpu.dma_semaphore, #tpu.memory_space<semaphore_mem>> -> memref<!tpu.dma_semaphore, #tpu.memory_space<semaphore_mem>>
    %dma_start3A_317 = arith.constant 0 : i32
    %dma_start3A_318 = arith.constant 0 : i32
    %dma_start3A_319 = tpu.memref_slice %arg4[%add3A, %dma_start3A_305, %dma_start3A_317, %dma_start3A_318] : memref<32x200x128x64xf32, #tpu.memory_space<hbm>> -> memref<1x1x128x64xf32, #tpu.memory_space<hbm>>
    %dma_start3A_320 = tpu.memref_squeeze %dma_start3A_319 : memref<1x1x128x64xf32, #tpu.memory_space<hbm>> -> memref<128x64xf32, #tpu.memory_space<hbm>>
    %dma_start3A_321 = arith.constant 0 : i32
    %dma_start3A_322 = arith.constant 0 : i32
    %dma_start3A_323 = tpu.memref_slice %arg6[%dma_start3A_304, %dma_start3A_321, %dma_start3A_322] : memref<8x128x64xf32, #tpu.memory_space<vmem>> -> memref<1x128x64xf32, #tpu.memory_space<vmem>>
    %dma_start3A_324 = tpu.memref_squeeze %dma_start3A_323 : memref<1x128x64xf32, #tpu.memory_space<vmem>> -> memref<128x64xf32, #tpu.memory_space<vmem>>
    tpu.enqueue_dma source(%dma_start3A_324 : memref<128x64xf32, #tpu.memory_space<vmem>>) target(%dma_start3A_320 : memref<128x64xf32, #tpu.memory_space<hbm>>) target_semaphore(%dma_start3A_316 : memref<!tpu.dma_semaphore, #tpu.memory_space<semaphore_mem>>)
    %dma_wait3A_325 = arith.constant 1 : i32
    %dma_wait3A_326 = arith.constant 0 : i32
    %dma_wait3A_327 = arith.constant 1 : i32
    %dma_wait3A_328 = arith.constant 0 : i32
    %dma_wait3A_329 = arith.constant 0 : i32
    %dma_wait3A_330 = tpu.memref_slice %arg6[%dma_wait3A_325, %dma_wait3A_328, %dma_wait3A_329] : memref<8x128x64xf32, #tpu.memory_space<vmem>> -> memref<1x128x64xf32, #tpu.memory_space<vmem>>
    %dma_wait3A_331 = tpu.memref_squeeze %dma_wait3A_330 : memref<1x128x64xf32, #tpu.memory_space<vmem>> -> memref<128x64xf32, #tpu.memory_space<vmem>>
    %dma_wait3A_332 = arith.constant 0 : i32
    %dma_wait3A_333 = arith.constant 0 : i32
    %dma_wait3A_334 = tpu.memref_slice %arg4[%add3A, %dma_wait3A_326, %dma_wait3A_332, %dma_wait3A_333] : memref<32x200x128x64xf32, #tpu.memory_space<hbm>> -> memref<1x1x128x64xf32, #tpu.memory_space<hbm>>
    %dma_wait3A_335 = tpu.memref_squeeze %dma_wait3A_334 : memref<1x1x128x64xf32, #tpu.memory_space<hbm>> -> memref<128x64xf32, #tpu.memory_space<hbm>>
    %dma_wait3A_336 = tpu.memref_slice %arg8[%dma_wait3A_327] : memref<8x!tpu.dma_semaphore, #tpu.memory_space<semaphore_mem>> -> memref<1x!tpu.dma_semaphore, #tpu.memory_space<semaphore_mem>>
    %dma_wait3A_337 = tpu.memref_squeeze %dma_wait3A_336 : memref<1x!tpu.dma_semaphore, #tpu.memory_space<semaphore_mem>> -> memref<!tpu.dma_semaphore, #tpu.memory_space<semaphore_mem>>
    %dma_wait3A_338 = arith.constant 0 : i32
    %dma_wait3A_339 = arith.constant 0 : i32
    %dma_wait3A_340 = tpu.memref_slice %arg4[%add3A, %dma_wait3A_326, %dma_wait3A_338, %dma_wait3A_339] : memref<32x200x128x64xf32, #tpu.memory_space<hbm>> -> memref<1x1x128x64xf32, #tpu.memory_space<hbm>>
    %dma_wait3A_341 = tpu.memref_squeeze %dma_wait3A_340 : memref<1x1x128x64xf32, #tpu.memory_space<hbm>> -> memref<128x64xf32, #tpu.memory_space<hbm>>
    %dma_wait3A_342 = arith.constant 0 : i32
    %dma_wait3A_343 = arith.constant 0 : i32
    %dma_wait3A_344 = tpu.memref_slice %arg6[%dma_wait3A_325, %dma_wait3A_342, %dma_wait3A_343] : memref<8x128x64xf32, #tpu.memory_space<vmem>> -> memref<1x128x64xf32, #tpu.memory_space<vmem>>
    %dma_wait3A_345 = tpu.memref_squeeze %dma_wait3A_344 : memref<1x128x64xf32, #tpu.memory_space<vmem>> -> memref<128x64xf32, #tpu.memory_space<vmem>>
    tpu.wait_dma2 semaphore(%dma_wait3A_337 : memref<!tpu.dma_semaphore, #tpu.memory_space<semaphore_mem>>) src(%dma_wait3A_345 : memref<128x64xf32, #tpu.memory_space<vmem>>) dst(%dma_wait3A_341 : memref<128x64xf32, #tpu.memory_space<hbm>>)
    %dma_wait3A_346 = arith.constant 0 : i32
    %dma_wait3A_347 = arith.constant 5 : i32
    %dma_wait3A_348 = arith.constant 5 : i32
    %dma_wait3A_349 = arith.constant 0 : i32
    %dma_wait3A_350 = arith.constant 0 : i32
    %dma_wait3A_351 = tpu.memref_slice %arg6[%dma_wait3A_347, %dma_wait3A_349, %dma_wait3A_350] : memref<8x128x64xf32, #tpu.memory_space<vmem>> -> memref<1x128x64xf32, #tpu.memory_space<vmem>>
    %dma_wait3A_352 = tpu.memref_squeeze %dma_wait3A_351 : memref<1x128x64xf32, #tpu.memory_space<vmem>> -> memref<128x64xf32, #tpu.memory_space<vmem>>
    %dma_wait3A_353 = arith.constant 0 : i32
    %dma_wait3A_354 = tpu.memref_slice %arg5[%dma_wait3A_346, %dma_wait3A_353] : memref<200x128xi32, #tpu.memory_space<vmem>> -> memref<1x128xi32, #tpu.memory_space<vmem>>
    %dma_wait3A_355 = tpu.memref_squeeze %dma_wait3A_354 : memref<1x128xi32, #tpu.memory_space<vmem>> -> memref<128xi32, #tpu.memory_space<vmem>>
    %dma_wait3A_356 = arith.constant 0 : i32
    %dma_wait3A_357 = arith.constant 0 : i32
    %dma_wait3A_358 = tpu.memref_slice %arg3[%dma_wait3A_356, %dma_wait3A_357] : memref<1000000x64xf32, #tpu.memory_space<hbm>> -> memref<1000000x64xf32, #tpu.memory_space<hbm>>
    %dma_wait3A_359 = tpu.memref_slice %arg7[%dma_wait3A_348] : memref<8x!tpu.dma_semaphore, #tpu.memory_space<semaphore_mem>> -> memref<1x!tpu.dma_semaphore, #tpu.memory_space<semaphore_mem>>
    %dma_wait3A_360 = tpu.memref_squeeze %dma_wait3A_359 : memref<1x!tpu.dma_semaphore, #tpu.memory_space<semaphore_mem>> -> memref<!tpu.dma_semaphore, #tpu.memory_space<semaphore_mem>>
    tpu.wait_indirect_dma semaphore(%dma_wait3A_360 : memref<!tpu.dma_semaphore, #tpu.memory_space<semaphore_mem>>) src(%dma_wait3A_358 : memref<1000000x64xf32, #tpu.memory_space<hbm>>) dst(%dma_wait3A_352 : memref<128x64xf32, #tpu.memory_space<vmem>>)
    %dma_start3A_361 = arith.constant 5 : i32
    %dma_start3A_362 = arith.constant 197 : i32
    %dma_start3A_363 = arith.constant 5 : i32
    %dma_start3A_364 = arith.constant 0 : i32
    %dma_start3A_365 = arith.constant 0 : i32
    %dma_start3A_366 = tpu.memref_slice %arg6[%dma_start3A_361, %dma_start3A_364, %dma_start3A_365] : memref<8x128x64xf32, #tpu.memory_space<vmem>> -> memref<1x128x64xf32, #tpu.memory_space<vmem>>
    %dma_start3A_367 = tpu.memref_squeeze %dma_start3A_366 : memref<1x128x64xf32, #tpu.memory_space<vmem>> -> memref<128x64xf32, #tpu.memory_space<vmem>>
    %dma_start3A_368 = arith.constant 0 : i32
    %dma_start3A_369 = arith.constant 0 : i32
    %dma_start3A_370 = tpu.memref_slice %arg4[%add3A, %dma_start3A_362, %dma_start3A_368, %dma_start3A_369] : memref<32x200x128x64xf32, #tpu.memory_space<hbm>> -> memref<1x1x128x64xf32, #tpu.memory_space<hbm>>
    %dma_start3A_371 = tpu.memref_squeeze %dma_start3A_370 : memref<1x1x128x64xf32, #tpu.memory_space<hbm>> -> memref<128x64xf32, #tpu.memory_space<hbm>>
    %dma_start3A_372 = tpu.memref_slice %arg8[%dma_start3A_363] : memref<8x!tpu.dma_semaphore, #tpu.memory_space<semaphore_mem>> -> memref<1x!tpu.dma_semaphore, #tpu.memory_space<semaphore_mem>>
    %dma_start3A_373 = tpu.memref_squeeze %dma_start3A_372 : memref<1x!tpu.dma_semaphore, #tpu.memory_space<semaphore_mem>> -> memref<!tpu.dma_semaphore, #tpu.memory_space<semaphore_mem>>
    %dma_start3A_374 = arith.constant 0 : i32
    %dma_start3A_375 = arith.constant 0 : i32
    %dma_start3A_376 = tpu.memref_slice %arg4[%add3A, %dma_start3A_362, %dma_start3A_374, %dma_start3A_375] : memref<32x200x128x64xf32, #tpu.memory_space<hbm>> -> memref<1x1x128x64xf32, #tpu.memory_space<hbm>>
    %dma_start3A_377 = tpu.memref_squeeze %dma_start3A_376 : memref<1x1x128x64xf32, #tpu.memory_space<hbm>> -> memref<128x64xf32, #tpu.memory_space<hbm>>
    %dma_start3A_378 = arith.constant 0 : i32
    %dma_start3A_379 = arith.constant 0 : i32
    %dma_start3A_380 = tpu.memref_slice %arg6[%dma_start3A_361, %dma_start3A_378, %dma_start3A_379] : memref<8x128x64xf32, #tpu.memory_space<vmem>> -> memref<1x128x64xf32, #tpu.memory_space<vmem>>
    %dma_start3A_381 = tpu.memref_squeeze %dma_start3A_380 : memref<1x128x64xf32, #tpu.memory_space<vmem>> -> memref<128x64xf32, #tpu.memory_space<vmem>>
    tpu.enqueue_dma source(%dma_start3A_381 : memref<128x64xf32, #tpu.memory_space<vmem>>) target(%dma_start3A_377 : memref<128x64xf32, #tpu.memory_space<hbm>>) target_semaphore(%dma_start3A_373 : memref<!tpu.dma_semaphore, #tpu.memory_space<semaphore_mem>>)
    %dma_wait3A_382 = arith.constant 2 : i32
    %dma_wait3A_383 = arith.constant 0 : i32
    %dma_wait3A_384 = arith.constant 2 : i32
    %dma_wait3A_385 = arith.constant 0 : i32
    %dma_wait3A_386 = arith.constant 0 : i32
    %dma_wait3A_387 = tpu.memref_slice %arg6[%dma_wait3A_382, %dma_wait3A_385, %dma_wait3A_386] : memref<8x128x64xf32, #tpu.memory_space<vmem>> -> memref<1x128x64xf32, #tpu.memory_space<vmem>>
    %dma_wait3A_388 = tpu.memref_squeeze %dma_wait3A_387 : memref<1x128x64xf32, #tpu.memory_space<vmem>> -> memref<128x64xf32, #tpu.memory_space<vmem>>
    %dma_wait3A_389 = arith.constant 0 : i32
    %dma_wait3A_390 = arith.constant 0 : i32
    %dma_wait3A_391 = tpu.memref_slice %arg4[%add3A, %dma_wait3A_383, %dma_wait3A_389, %dma_wait3A_390] : memref<32x200x128x64xf32, #tpu.memory_space<hbm>> -> memref<1x1x128x64xf32, #tpu.memory_space<hbm>>
    %dma_wait3A_392 = tpu.memref_squeeze %dma_wait3A_391 : memref<1x1x128x64xf32, #tpu.memory_space<hbm>> -> memref<128x64xf32, #tpu.memory_space<hbm>>
    %dma_wait3A_393 = tpu.memref_slice %arg8[%dma_wait3A_384] : memref<8x!tpu.dma_semaphore, #tpu.memory_space<semaphore_mem>> -> memref<1x!tpu.dma_semaphore, #tpu.memory_space<semaphore_mem>>
    %dma_wait3A_394 = tpu.memref_squeeze %dma_wait3A_393 : memref<1x!tpu.dma_semaphore, #tpu.memory_space<semaphore_mem>> -> memref<!tpu.dma_semaphore, #tpu.memory_space<semaphore_mem>>
    %dma_wait3A_395 = arith.constant 0 : i32
    %dma_wait3A_396 = arith.constant 0 : i32
    %dma_wait3A_397 = tpu.memref_slice %arg4[%add3A, %dma_wait3A_383, %dma_wait3A_395, %dma_wait3A_396] : memref<32x200x128x64xf32, #tpu.memory_space<hbm>> -> memref<1x1x128x64xf32, #tpu.memory_space<hbm>>
    %dma_wait3A_398 = tpu.memref_squeeze %dma_wait3A_397 : memref<1x1x128x64xf32, #tpu.memory_space<hbm>> -> memref<128x64xf32, #tpu.memory_space<hbm>>
    %dma_wait3A_399 = arith.constant 0 : i32
    %dma_wait3A_400 = arith.constant 0 : i32
    %dma_wait3A_401 = tpu.memref_slice %arg6[%dma_wait3A_382, %dma_wait3A_399, %dma_wait3A_400] : memref<8x128x64xf32, #tpu.memory_space<vmem>> -> memref<1x128x64xf32, #tpu.memory_space<vmem>>
    %dma_wait3A_402 = tpu.memref_squeeze %dma_wait3A_401 : memref<1x128x64xf32, #tpu.memory_space<vmem>> -> memref<128x64xf32, #tpu.memory_space<vmem>>
    tpu.wait_dma2 semaphore(%dma_wait3A_394 : memref<!tpu.dma_semaphore, #tpu.memory_space<semaphore_mem>>) src(%dma_wait3A_402 : memref<128x64xf32, #tpu.memory_space<vmem>>) dst(%dma_wait3A_398 : memref<128x64xf32, #tpu.memory_space<hbm>>)
    %dma_wait3A_403 = arith.constant 0 : i32
    %dma_wait3A_404 = arith.constant 6 : i32
    %dma_wait3A_405 = arith.constant 6 : i32
    %dma_wait3A_406 = arith.constant 0 : i32
    %dma_wait3A_407 = arith.constant 0 : i32
    %dma_wait3A_408 = tpu.memref_slice %arg6[%dma_wait3A_404, %dma_wait3A_406, %dma_wait3A_407] : memref<8x128x64xf32, #tpu.memory_space<vmem>> -> memref<1x128x64xf32, #tpu.memory_space<vmem>>
    %dma_wait3A_409 = tpu.memref_squeeze %dma_wait3A_408 : memref<1x128x64xf32, #tpu.memory_space<vmem>> -> memref<128x64xf32, #tpu.memory_space<vmem>>
    %dma_wait3A_410 = arith.constant 0 : i32
    %dma_wait3A_411 = tpu.memref_slice %arg5[%dma_wait3A_403, %dma_wait3A_410] : memref<200x128xi32, #tpu.memory_space<vmem>> -> memref<1x128xi32, #tpu.memory_space<vmem>>
    %dma_wait3A_412 = tpu.memref_squeeze %dma_wait3A_411 : memref<1x128xi32, #tpu.memory_space<vmem>> -> memref<128xi32, #tpu.memory_space<vmem>>
    %dma_wait3A_413 = arith.constant 0 : i32
    %dma_wait3A_414 = arith.constant 0 : i32
    %dma_wait3A_415 = tpu.memref_slice %arg3[%dma_wait3A_413, %dma_wait3A_414] : memref<1000000x64xf32, #tpu.memory_space<hbm>> -> memref<1000000x64xf32, #tpu.memory_space<hbm>>
    %dma_wait3A_416 = tpu.memref_slice %arg7[%dma_wait3A_405] : memref<8x!tpu.dma_semaphore, #tpu.memory_space<semaphore_mem>> -> memref<1x!tpu.dma_semaphore, #tpu.memory_space<semaphore_mem>>
    %dma_wait3A_417 = tpu.memref_squeeze %dma_wait3A_416 : memref<1x!tpu.dma_semaphore, #tpu.memory_space<semaphore_mem>> -> memref<!tpu.dma_semaphore, #tpu.memory_space<semaphore_mem>>
    tpu.wait_indirect_dma semaphore(%dma_wait3A_417 : memref<!tpu.dma_semaphore, #tpu.memory_space<semaphore_mem>>) src(%dma_wait3A_415 : memref<1000000x64xf32, #tpu.memory_space<hbm>>) dst(%dma_wait3A_409 : memref<128x64xf32, #tpu.memory_space<vmem>>)
    %dma_start3A_418 = arith.constant 6 : i32
    %dma_start3A_419 = arith.constant 198 : i32
    %dma_start3A_420 = arith.constant 6 : i32
    %dma_start3A_421 = arith.constant 0 : i32
    %dma_start3A_422 = arith.constant 0 : i32
    %dma_start3A_423 = tpu.memref_slice %arg6[%dma_start3A_418, %dma_start3A_421, %dma_start3A_422] : memref<8x128x64xf32, #tpu.memory_space<vmem>> -> memref<1x128x64xf32, #tpu.memory_space<vmem>>
    %dma_start3A_424 = tpu.memref_squeeze %dma_start3A_423 : memref<1x128x64xf32, #tpu.memory_space<vmem>> -> memref<128x64xf32, #tpu.memory_space<vmem>>
    %dma_start3A_425 = arith.constant 0 : i32
    %dma_start3A_426 = arith.constant 0 : i32
    %dma_start3A_427 = tpu.memref_slice %arg4[%add3A, %dma_start3A_419, %dma_start3A_425, %dma_start3A_426] : memref<32x200x128x64xf32, #tpu.memory_space<hbm>> -> memref<1x1x128x64xf32, #tpu.memory_space<hbm>>
    %dma_start3A_428 = tpu.memref_squeeze %dma_start3A_427 : memref<1x1x128x64xf32, #tpu.memory_space<hbm>> -> memref<128x64xf32, #tpu.memory_space<hbm>>
    %dma_start3A_429 = tpu.memref_slice %arg8[%dma_start3A_420] : memref<8x!tpu.dma_semaphore, #tpu.memory_space<semaphore_mem>> -> memref<1x!tpu.dma_semaphore, #tpu.memory_space<semaphore_mem>>
    %dma_start3A_430 = tpu.memref_squeeze %dma_start3A_429 : memref<1x!tpu.dma_semaphore, #tpu.memory_space<semaphore_mem>> -> memref<!tpu.dma_semaphore, #tpu.memory_space<semaphore_mem>>
    %dma_start3A_431 = arith.constant 0 : i32
    %dma_start3A_432 = arith.constant 0 : i32
    %dma_start3A_433 = tpu.memref_slice %arg4[%add3A, %dma_start3A_419, %dma_start3A_431, %dma_start3A_432] : memref<32x200x128x64xf32, #tpu.memory_space<hbm>> -> memref<1x1x128x64xf32, #tpu.memory_space<hbm>>
    %dma_start3A_434 = tpu.memref_squeeze %dma_start3A_433 : memref<1x1x128x64xf32, #tpu.memory_space<hbm>> -> memref<128x64xf32, #tpu.memory_space<hbm>>
    %dma_start3A_435 = arith.constant 0 : i32
    %dma_start3A_436 = arith.constant 0 : i32
    %dma_start3A_437 = tpu.memref_slice %arg6[%dma_start3A_418, %dma_start3A_435, %dma_start3A_436] : memref<8x128x64xf32, #tpu.memory_space<vmem>> -> memref<1x128x64xf32, #tpu.memory_space<vmem>>
    %dma_start3A_438 = tpu.memref_squeeze %dma_start3A_437 : memref<1x128x64xf32, #tpu.memory_space<vmem>> -> memref<128x64xf32, #tpu.memory_space<vmem>>
    tpu.enqueue_dma source(%dma_start3A_438 : memref<128x64xf32, #tpu.memory_space<vmem>>) target(%dma_start3A_434 : memref<128x64xf32, #tpu.memory_space<hbm>>) target_semaphore(%dma_start3A_430 : memref<!tpu.dma_semaphore, #tpu.memory_space<semaphore_mem>>)
    %dma_wait3A_439 = arith.constant 3 : i32
    %dma_wait3A_440 = arith.constant 0 : i32
    %dma_wait3A_441 = arith.constant 3 : i32
    %dma_wait3A_442 = arith.constant 0 : i32
    %dma_wait3A_443 = arith.constant 0 : i32
    %dma_wait3A_444 = tpu.memref_slice %arg6[%dma_wait3A_439, %dma_wait3A_442, %dma_wait3A_443] : memref<8x128x64xf32, #tpu.memory_space<vmem>> -> memref<1x128x64xf32, #tpu.memory_space<vmem>>
    %dma_wait3A_445 = tpu.memref_squeeze %dma_wait3A_444 : memref<1x128x64xf32, #tpu.memory_space<vmem>> -> memref<128x64xf32, #tpu.memory_space<vmem>>
    %dma_wait3A_446 = arith.constant 0 : i32
    %dma_wait3A_447 = arith.constant 0 : i32
    %dma_wait3A_448 = tpu.memref_slice %arg4[%add3A, %dma_wait3A_440, %dma_wait3A_446, %dma_wait3A_447] : memref<32x200x128x64xf32, #tpu.memory_space<hbm>> -> memref<1x1x128x64xf32, #tpu.memory_space<hbm>>
    %dma_wait3A_449 = tpu.memref_squeeze %dma_wait3A_448 : memref<1x1x128x64xf32, #tpu.memory_space<hbm>> -> memref<128x64xf32, #tpu.memory_space<hbm>>
    %dma_wait3A_450 = tpu.memref_slice %arg8[%dma_wait3A_441] : memref<8x!tpu.dma_semaphore, #tpu.memory_space<semaphore_mem>> -> memref<1x!tpu.dma_semaphore, #tpu.memory_space<semaphore_mem>>
    %dma_wait3A_451 = tpu.memref_squeeze %dma_wait3A_450 : memref<1x!tpu.dma_semaphore, #tpu.memory_space<semaphore_mem>> -> memref<!tpu.dma_semaphore, #tpu.memory_space<semaphore_mem>>
    %dma_wait3A_452 = arith.constant 0 : i32
    %dma_wait3A_453 = arith.constant 0 : i32
    %dma_wait3A_454 = tpu.memref_slice %arg4[%add3A, %dma_wait3A_440, %dma_wait3A_452, %dma_wait3A_453] : memref<32x200x128x64xf32, #tpu.memory_space<hbm>> -> memref<1x1x128x64xf32, #tpu.memory_space<hbm>>
    %dma_wait3A_455 = tpu.memref_squeeze %dma_wait3A_454 : memref<1x1x128x64xf32, #tpu.memory_space<hbm>> -> memref<128x64xf32, #tpu.memory_space<hbm>>
    %dma_wait3A_456 = arith.constant 0 : i32
    %dma_wait3A_457 = arith.constant 0 : i32
    %dma_wait3A_458 = tpu.memref_slice %arg6[%dma_wait3A_439, %dma_wait3A_456, %dma_wait3A_457] : memref<8x128x64xf32, #tpu.memory_space<vmem>> -> memref<1x128x64xf32, #tpu.memory_space<vmem>>
    %dma_wait3A_459 = tpu.memref_squeeze %dma_wait3A_458 : memref<1x128x64xf32, #tpu.memory_space<vmem>> -> memref<128x64xf32, #tpu.memory_space<vmem>>
    tpu.wait_dma2 semaphore(%dma_wait3A_451 : memref<!tpu.dma_semaphore, #tpu.memory_space<semaphore_mem>>) src(%dma_wait3A_459 : memref<128x64xf32, #tpu.memory_space<vmem>>) dst(%dma_wait3A_455 : memref<128x64xf32, #tpu.memory_space<hbm>>)
    %dma_wait3A_460 = arith.constant 0 : i32
    %dma_wait3A_461 = arith.constant 7 : i32
    %dma_wait3A_462 = arith.constant 7 : i32
    %dma_wait3A_463 = arith.constant 0 : i32
    %dma_wait3A_464 = arith.constant 0 : i32
    %dma_wait3A_465 = tpu.memref_slice %arg6[%dma_wait3A_461, %dma_wait3A_463, %dma_wait3A_464] : memref<8x128x64xf32, #tpu.memory_space<vmem>> -> memref<1x128x64xf32, #tpu.memory_space<vmem>>
    %dma_wait3A_466 = tpu.memref_squeeze %dma_wait3A_465 : memref<1x128x64xf32, #tpu.memory_space<vmem>> -> memref<128x64xf32, #tpu.memory_space<vmem>>
    %dma_wait3A_467 = arith.constant 0 : i32
    %dma_wait3A_468 = tpu.memref_slice %arg5[%dma_wait3A_460, %dma_wait3A_467] : memref<200x128xi32, #tpu.memory_space<vmem>> -> memref<1x128xi32, #tpu.memory_space<vmem>>
    %dma_wait3A_469 = tpu.memref_squeeze %dma_wait3A_468 : memref<1x128xi32, #tpu.memory_space<vmem>> -> memref<128xi32, #tpu.memory_space<vmem>>
    %dma_wait3A_470 = arith.constant 0 : i32
    %dma_wait3A_471 = arith.constant 0 : i32
    %dma_wait3A_472 = tpu.memref_slice %arg3[%dma_wait3A_470, %dma_wait3A_471] : memref<1000000x64xf32, #tpu.memory_space<hbm>> -> memref<1000000x64xf32, #tpu.memory_space<hbm>>
    %dma_wait3A_473 = tpu.memref_slice %arg7[%dma_wait3A_462] : memref<8x!tpu.dma_semaphore, #tpu.memory_space<semaphore_mem>> -> memref<1x!tpu.dma_semaphore, #tpu.memory_space<semaphore_mem>>
    %dma_wait3A_474 = tpu.memref_squeeze %dma_wait3A_473 : memref<1x!tpu.dma_semaphore, #tpu.memory_space<semaphore_mem>> -> memref<!tpu.dma_semaphore, #tpu.memory_space<semaphore_mem>>
    tpu.wait_indirect_dma semaphore(%dma_wait3A_474 : memref<!tpu.dma_semaphore, #tpu.memory_space<semaphore_mem>>) src(%dma_wait3A_472 : memref<1000000x64xf32, #tpu.memory_space<hbm>>) dst(%dma_wait3A_466 : memref<128x64xf32, #tpu.memory_space<vmem>>)
    %dma_start3A_475 = arith.constant 7 : i32
    %dma_start3A_476 = arith.constant 199 : i32
    %dma_start3A_477 = arith.constant 7 : i32
    %dma_start3A_478 = arith.constant 0 : i32
    %dma_start3A_479 = arith.constant 0 : i32
    %dma_start3A_480 = tpu.memref_slice %arg6[%dma_start3A_475, %dma_start3A_478, %dma_start3A_479] : memref<8x128x64xf32, #tpu.memory_space<vmem>> -> memref<1x128x64xf32, #tpu.memory_space<vmem>>
    %dma_start3A_481 = tpu.memref_squeeze %dma_start3A_480 : memref<1x128x64xf32, #tpu.memory_space<vmem>> -> memref<128x64xf32, #tpu.memory_space<vmem>>
    %dma_start3A_482 = arith.constant 0 : i32
    %dma_start3A_483 = arith.constant 0 : i32
    %dma_start3A_484 = tpu.memref_slice %arg4[%add3A, %dma_start3A_476, %dma_start3A_482, %dma_start3A_483] : memref<32x200x128x64xf32, #tpu.memory_space<hbm>> -> memref<1x1x128x64xf32, #tpu.memory_space<hbm>>
    %dma_start3A_485 = tpu.memref_squeeze %dma_start3A_484 : memref<1x1x128x64xf32, #tpu.memory_space<hbm>> -> memref<128x64xf32, #tpu.memory_space<hbm>>
    %dma_start3A_486 = tpu.memref_slice %arg8[%dma_start3A_477] : memref<8x!tpu.dma_semaphore, #tpu.memory_space<semaphore_mem>> -> memref<1x!tpu.dma_semaphore, #tpu.memory_space<semaphore_mem>>
    %dma_start3A_487 = tpu.memref_squeeze %dma_start3A_486 : memref<1x!tpu.dma_semaphore, #tpu.memory_space<semaphore_mem>> -> memref<!tpu.dma_semaphore, #tpu.memory_space<semaphore_mem>>
    %dma_start3A_488 = arith.constant 0 : i32
    %dma_start3A_489 = arith.constant 0 : i32
    %dma_start3A_490 = tpu.memref_slice %arg4[%add3A, %dma_start3A_476, %dma_start3A_488, %dma_start3A_489] : memref<32x200x128x64xf32, #tpu.memory_space<hbm>> -> memref<1x1x128x64xf32, #tpu.memory_space<hbm>>
    %dma_start3A_491 = tpu.memref_squeeze %dma_start3A_490 : memref<1x1x128x64xf32, #tpu.memory_space<hbm>> -> memref<128x64xf32, #tpu.memory_space<hbm>>
    %dma_start3A_492 = arith.constant 0 : i32
    %dma_start3A_493 = arith.constant 0 : i32
    %dma_start3A_494 = tpu.memref_slice %arg6[%dma_start3A_475, %dma_start3A_492, %dma_start3A_493] : memref<8x128x64xf32, #tpu.memory_space<vmem>> -> memref<1x128x64xf32, #tpu.memory_space<vmem>>
    %dma_start3A_495 = tpu.memref_squeeze %dma_start3A_494 : memref<1x128x64xf32, #tpu.memory_space<vmem>> -> memref<128x64xf32, #tpu.memory_space<vmem>>
    tpu.enqueue_dma source(%dma_start3A_495 : memref<128x64xf32, #tpu.memory_space<vmem>>) target(%dma_start3A_491 : memref<128x64xf32, #tpu.memory_space<hbm>>) target_semaphore(%dma_start3A_487 : memref<!tpu.dma_semaphore, #tpu.memory_space<semaphore_mem>>)
    %dma_wait3A_496 = arith.constant 4 : i32
    %dma_wait3A_497 = arith.constant 0 : i32
    %dma_wait3A_498 = arith.constant 4 : i32
    %dma_wait3A_499 = arith.constant 0 : i32
    %dma_wait3A_500 = arith.constant 0 : i32
    %dma_wait3A_501 = tpu.memref_slice %arg6[%dma_wait3A_496, %dma_wait3A_499, %dma_wait3A_500] : memref<8x128x64xf32, #tpu.memory_space<vmem>> -> memref<1x128x64xf32, #tpu.memory_space<vmem>>
    %dma_wait3A_502 = tpu.memref_squeeze %dma_wait3A_501 : memref<1x128x64xf32, #tpu.memory_space<vmem>> -> memref<128x64xf32, #tpu.memory_space<vmem>>
    %dma_wait3A_503 = arith.constant 0 : i32
    %dma_wait3A_504 = arith.constant 0 : i32
    %dma_wait3A_505 = tpu.memref_slice %arg4[%add3A, %dma_wait3A_497, %dma_wait3A_503, %dma_wait3A_504] : memref<32x200x128x64xf32, #tpu.memory_space<hbm>> -> memref<1x1x128x64xf32, #tpu.memory_space<hbm>>
    %dma_wait3A_506 = tpu.memref_squeeze %dma_wait3A_505 : memref<1x1x128x64xf32, #tpu.memory_space<hbm>> -> memref<128x64xf32, #tpu.memory_space<hbm>>
    %dma_wait3A_507 = tpu.memref_slice %arg8[%dma_wait3A_498] : memref<8x!tpu.dma_semaphore, #tpu.memory_space<semaphore_mem>> -> memref<1x!tpu.dma_semaphore, #tpu.memory_space<semaphore_mem>>
    %dma_wait3A_508 = tpu.memref_squeeze %dma_wait3A_507 : memref<1x!tpu.dma_semaphore, #tpu.memory_space<semaphore_mem>> -> memref<!tpu.dma_semaphore, #tpu.memory_space<semaphore_mem>>
    %dma_wait3A_509 = arith.constant 0 : i32
    %dma_wait3A_510 = arith.constant 0 : i32
    %dma_wait3A_511 = tpu.memref_slice %arg4[%add3A, %dma_wait3A_497, %dma_wait3A_509, %dma_wait3A_510] : memref<32x200x128x64xf32, #tpu.memory_space<hbm>> -> memref<1x1x128x64xf32, #tpu.memory_space<hbm>>
    %dma_wait3A_512 = tpu.memref_squeeze %dma_wait3A_511 : memref<1x1x128x64xf32, #tpu.memory_space<hbm>> -> memref<128x64xf32, #tpu.memory_space<hbm>>
    %dma_wait3A_513 = arith.constant 0 : i32
    %dma_wait3A_514 = arith.constant 0 : i32
    %dma_wait3A_515 = tpu.memref_slice %arg6[%dma_wait3A_496, %dma_wait3A_513, %dma_wait3A_514] : memref<8x128x64xf32, #tpu.memory_space<vmem>> -> memref<1x128x64xf32, #tpu.memory_space<vmem>>
    %dma_wait3A_516 = tpu.memref_squeeze %dma_wait3A_515 : memref<1x128x64xf32, #tpu.memory_space<vmem>> -> memref<128x64xf32, #tpu.memory_space<vmem>>
    tpu.wait_dma2 semaphore(%dma_wait3A_508 : memref<!tpu.dma_semaphore, #tpu.memory_space<semaphore_mem>>) src(%dma_wait3A_516 : memref<128x64xf32, #tpu.memory_space<vmem>>) dst(%dma_wait3A_512 : memref<128x64xf32, #tpu.memory_space<hbm>>)
    %dma_wait3A_517 = arith.constant 5 : i32
    %dma_wait3A_518 = arith.constant 0 : i32
    %dma_wait3A_519 = arith.constant 5 : i32
    %dma_wait3A_520 = arith.constant 0 : i32
    %dma_wait3A_521 = arith.constant 0 : i32
    %dma_wait3A_522 = tpu.memref_slice %arg6[%dma_wait3A_517, %dma_wait3A_520, %dma_wait3A_521] : memref<8x128x64xf32, #tpu.memory_space<vmem>> -> memref<1x128x64xf32, #tpu.memory_space<vmem>>
    %dma_wait3A_523 = tpu.memref_squeeze %dma_wait3A_522 : memref<1x128x64xf32, #tpu.memory_space<vmem>> -> memref<128x64xf32, #tpu.memory_space<vmem>>
    %dma_wait3A_524 = arith.constant 0 : i32
    %dma_wait3A_525 = arith.constant 0 : i32
    %dma_wait3A_526 = tpu.memref_slice %arg4[%add3A, %dma_wait3A_518, %dma_wait3A_524, %dma_wait3A_525] : memref<32x200x128x64xf32, #tpu.memory_space<hbm>> -> memref<1x1x128x64xf32, #tpu.memory_space<hbm>>
    %dma_wait3A_527 = tpu.memref_squeeze %dma_wait3A_526 : memref<1x1x128x64xf32, #tpu.memory_space<hbm>> -> memref<128x64xf32, #tpu.memory_space<hbm>>
    %dma_wait3A_528 = tpu.memref_slice %arg8[%dma_wait3A_519] : memref<8x!tpu.dma_semaphore, #tpu.memory_space<semaphore_mem>> -> memref<1x!tpu.dma_semaphore, #tpu.memory_space<semaphore_mem>>
    %dma_wait3A_529 = tpu.memref_squeeze %dma_wait3A_528 : memref<1x!tpu.dma_semaphore, #tpu.memory_space<semaphore_mem>> -> memref<!tpu.dma_semaphore, #tpu.memory_space<semaphore_mem>>
    %dma_wait3A_530 = arith.constant 0 : i32
    %dma_wait3A_531 = arith.constant 0 : i32
    %dma_wait3A_532 = tpu.memref_slice %arg4[%add3A, %dma_wait3A_518, %dma_wait3A_530, %dma_wait3A_531] : memref<32x200x128x64xf32, #tpu.memory_space<hbm>> -> memref<1x1x128x64xf32, #tpu.memory_space<hbm>>
    %dma_wait3A_533 = tpu.memref_squeeze %dma_wait3A_532 : memref<1x1x128x64xf32, #tpu.memory_space<hbm>> -> memref<128x64xf32, #tpu.memory_space<hbm>>
    %dma_wait3A_534 = arith.constant 0 : i32
    %dma_wait3A_535 = arith.constant 0 : i32
    %dma_wait3A_536 = tpu.memref_slice %arg6[%dma_wait3A_517, %dma_wait3A_534, %dma_wait3A_535] : memref<8x128x64xf32, #tpu.memory_space<vmem>> -> memref<1x128x64xf32, #tpu.memory_space<vmem>>
    %dma_wait3A_537 = tpu.memref_squeeze %dma_wait3A_536 : memref<1x128x64xf32, #tpu.memory_space<vmem>> -> memref<128x64xf32, #tpu.memory_space<vmem>>
    tpu.wait_dma2 semaphore(%dma_wait3A_529 : memref<!tpu.dma_semaphore, #tpu.memory_space<semaphore_mem>>) src(%dma_wait3A_537 : memref<128x64xf32, #tpu.memory_space<vmem>>) dst(%dma_wait3A_533 : memref<128x64xf32, #tpu.memory_space<hbm>>)
    %dma_wait3A_538 = arith.constant 6 : i32
    %dma_wait3A_539 = arith.constant 0 : i32
    %dma_wait3A_540 = arith.constant 6 : i32
    %dma_wait3A_541 = arith.constant 0 : i32
    %dma_wait3A_542 = arith.constant 0 : i32
    %dma_wait3A_543 = tpu.memref_slice %arg6[%dma_wait3A_538, %dma_wait3A_541, %dma_wait3A_542] : memref<8x128x64xf32, #tpu.memory_space<vmem>> -> memref<1x128x64xf32, #tpu.memory_space<vmem>>
    %dma_wait3A_544 = tpu.memref_squeeze %dma_wait3A_543 : memref<1x128x64xf32, #tpu.memory_space<vmem>> -> memref<128x64xf32, #tpu.memory_space<vmem>>
    %dma_wait3A_545 = arith.constant 0 : i32
    %dma_wait3A_546 = arith.constant 0 : i32
    %dma_wait3A_547 = tpu.memref_slice %arg4[%add3A, %dma_wait3A_539, %dma_wait3A_545, %dma_wait3A_546] : memref<32x200x128x64xf32, #tpu.memory_space<hbm>> -> memref<1x1x128x64xf32, #tpu.memory_space<hbm>>
    %dma_wait3A_548 = tpu.memref_squeeze %dma_wait3A_547 : memref<1x1x128x64xf32, #tpu.memory_space<hbm>> -> memref<128x64xf32, #tpu.memory_space<hbm>>
    %dma_wait3A_549 = tpu.memref_slice %arg8[%dma_wait3A_540] : memref<8x!tpu.dma_semaphore, #tpu.memory_space<semaphore_mem>> -> memref<1x!tpu.dma_semaphore, #tpu.memory_space<semaphore_mem>>
    %dma_wait3A_550 = tpu.memref_squeeze %dma_wait3A_549 : memref<1x!tpu.dma_semaphore, #tpu.memory_space<semaphore_mem>> -> memref<!tpu.dma_semaphore, #tpu.memory_space<semaphore_mem>>
    %dma_wait3A_551 = arith.constant 0 : i32
    %dma_wait3A_552 = arith.constant 0 : i32
    %dma_wait3A_553 = tpu.memref_slice %arg4[%add3A, %dma_wait3A_539, %dma_wait3A_551, %dma_wait3A_552] : memref<32x200x128x64xf32, #tpu.memory_space<hbm>> -> memref<1x1x128x64xf32, #tpu.memory_space<hbm>>
    %dma_wait3A_554 = tpu.memref_squeeze %dma_wait3A_553 : memref<1x1x128x64xf32, #tpu.memory_space<hbm>> -> memref<128x64xf32, #tpu.memory_space<hbm>>
    %dma_wait3A_555 = arith.constant 0 : i32
    %dma_wait3A_556 = arith.constant 0 : i32
    %dma_wait3A_557 = tpu.memref_slice %arg6[%dma_wait3A_538, %dma_wait3A_555, %dma_wait3A_556] : memref<8x128x64xf32, #tpu.memory_space<vmem>> -> memref<1x128x64xf32, #tpu.memory_space<vmem>>
    %dma_wait3A_558 = tpu.memref_squeeze %dma_wait3A_557 : memref<1x128x64xf32, #tpu.memory_space<vmem>> -> memref<128x64xf32, #tpu.memory_space<vmem>>
    tpu.wait_dma2 semaphore(%dma_wait3A_550 : memref<!tpu.dma_semaphore, #tpu.memory_space<semaphore_mem>>) src(%dma_wait3A_558 : memref<128x64xf32, #tpu.memory_space<vmem>>) dst(%dma_wait3A_554 : memref<128x64xf32, #tpu.memory_space<hbm>>)
    %dma_wait3A_559 = arith.constant 7 : i32
    %dma_wait3A_560 = arith.constant 0 : i32
    %dma_wait3A_561 = arith.constant 7 : i32
    %dma_wait3A_562 = arith.constant 0 : i32
    %dma_wait3A_563 = arith.constant 0 : i32
    %dma_wait3A_564 = tpu.memref_slice %arg6[%dma_wait3A_559, %dma_wait3A_562, %dma_wait3A_563] : memref<8x128x64xf32, #tpu.memory_space<vmem>> -> memref<1x128x64xf32, #tpu.memory_space<vmem>>
    %dma_wait3A_565 = tpu.memref_squeeze %dma_wait3A_564 : memref<1x128x64xf32, #tpu.memory_space<vmem>> -> memref<128x64xf32, #tpu.memory_space<vmem>>
    %dma_wait3A_566 = arith.constant 0 : i32
    %dma_wait3A_567 = arith.constant 0 : i32
    %dma_wait3A_568 = tpu.memref_slice %arg4[%add3A, %dma_wait3A_560, %dma_wait3A_566, %dma_wait3A_567] : memref<32x200x128x64xf32, #tpu.memory_space<hbm>> -> memref<1x1x128x64xf32, #tpu.memory_space<hbm>>
    %dma_wait3A_569 = tpu.memref_squeeze %dma_wait3A_568 : memref<1x1x128x64xf32, #tpu.memory_space<hbm>> -> memref<128x64xf32, #tpu.memory_space<hbm>>
    %dma_wait3A_570 = tpu.memref_slice %arg8[%dma_wait3A_561] : memref<8x!tpu.dma_semaphore, #tpu.memory_space<semaphore_mem>> -> memref<1x!tpu.dma_semaphore, #tpu.memory_space<semaphore_mem>>
    %dma_wait3A_571 = tpu.memref_squeeze %dma_wait3A_570 : memref<1x!tpu.dma_semaphore, #tpu.memory_space<semaphore_mem>> -> memref<!tpu.dma_semaphore, #tpu.memory_space<semaphore_mem>>
    %dma_wait3A_572 = arith.constant 0 : i32
    %dma_wait3A_573 = arith.constant 0 : i32
    %dma_wait3A_574 = tpu.memref_slice %arg4[%add3A, %dma_wait3A_560, %dma_wait3A_572, %dma_wait3A_573] : memref<32x200x128x64xf32, #tpu.memory_space<hbm>> -> memref<1x1x128x64xf32, #tpu.memory_space<hbm>>
    %dma_wait3A_575 = tpu.memref_squeeze %dma_wait3A_574 : memref<1x1x128x64xf32, #tpu.memory_space<hbm>> -> memref<128x64xf32, #tpu.memory_space<hbm>>
    %dma_wait3A_576 = arith.constant 0 : i32
    %dma_wait3A_577 = arith.constant 0 : i32
    %dma_wait3A_578 = tpu.memref_slice %arg6[%dma_wait3A_559, %dma_wait3A_576, %dma_wait3A_577] : memref<8x128x64xf32, #tpu.memory_space<vmem>> -> memref<1x128x64xf32, #tpu.memory_space<vmem>>
    %dma_wait3A_579 = tpu.memref_squeeze %dma_wait3A_578 : memref<1x128x64xf32, #tpu.memory_space<vmem>> -> memref<128x64xf32, #tpu.memory_space<vmem>>
    tpu.wait_dma2 semaphore(%dma_wait3A_571 : memref<!tpu.dma_semaphore, #tpu.memory_space<semaphore_mem>>) src(%dma_wait3A_579 : memref<128x64xf32, #tpu.memory_space<vmem>>) dst(%dma_wait3A_575 : memref<128x64xf32, #tpu.memory_space<hbm>>)
    return
  }
}

</mosaic_0001>

<sc_bundles>
// kernel: kernel.3.cloned.1.call-start
scs
__scs_entry_jumppad:
0x0: {  	(pc) =	sbr.rel $0x88, $3  }
0x1: {  	(tag) =	ssettag $0x0;
	lr =	simm.s32 $0x1  }
0x2: {  	[smem:$0x3F9F] =	sst lr;
	_ =	strace $0xD0000000  }
0x3: {  	_ = 	snop  }
0x4: {  	_ = 	snop  }
0x5: {  	_ = 	snop  }
0x6: {  	_ = 	snop  }
0x7: {  	_ = 	snop  }
__scs_overlays_trampoline_lowered:
0x8: {  	[smem:$0x3FAE] =	sst s0  }
0x9: {  	[smem:$0x3FAF] =	sst s1  }
0xa: {  	[smem:$0x3FB0] =	sst s2  }
0xb: {  	[smem:$0x3FB1] =	sst s3  }
0xc: {  	[smem:$0x3FB2] =	sst s4  }
0xd: {  	[smem:$0x3FB3] =	sst s5  }
0xe: {  	[smem:$0x3FB4] =	sst s6  }
0xf: {  	[smem:$0x3FB5] =	sst s7  }
0x10: {  	[smem:$0x3FB6] =	sst s8  }
0x11: {  	[smem:$0x3FB7] =	sst s9;
	s0 =	simm.s32 @!p0 $0x0  }
0x12: {  	s1 =	sld [smem:$0x3F9D];
	s0 =	simm.s32 @p0 $0x1  }
0x13: {  	[smem:$0x3FB8] =	sst s0;
	s0 =	simm.s32 @!p1 $0x0  }
0x14: {  	s2 =	sld [smem:$0x3F9C];
	s0 =	simm.s32 @p1 $0x1  }
0x15: {  	[smem:$0x3FB9] =	sst s0;
	s0 =	simm.s32 @!p2 $0x0  }
0x16: {  	s3 =	sld [smem:$0x3FDB];
	s0 =	simm.s32 @p2 $0x1  }
0x17: {  	s4 =	simm.s32 $0x1BF5;
	[smem:$0x3FBB] =	sst s0  }
0x18: {  	s0 =	sld [smem:$0x3F9E];
	_ =	swait.ge [sflag:s4], $0x0  }
0x19: {  	s7 =	sld [smem:$0x3F9F]  }
0x1a: {  	s8 =	sadd.s32 $0xFFFFE003, lr  }
0x1b: {  	s9 =	sadd.s32 $0xFFFFFEF7, lr;
	s5 =	simm.s32 $0xFFFFFFFF;
	p2 =	slt.u32 s8, $0xFFFFF086  }
0x1c: {  	p1 =	slt.u32 s9, $0xF7A;
	s5 =	simm.s32 @!p2 $0x0  }
0x1d: {  	s5 =	simm.s32 @p1 $0x1;
	p0 =	seq.s32 s7, s2  }
0x1e: {  	s7 =	smul.u32 @!p0 $0xF7A, s2;
	p2 =	seq.s32 @!p0 s5, $0x0  }
0x1f: {  	s9 =	smul.u32 $0xF7A, s1;
	s8 =	simm.s32 @!p0 $0x1BF5;
	p2 =	por !p2, p0  }
0x20: {  	[sflag:s8] =	ssyncset.s32 @!p0 $0xFFFFF086;
	s6 =	sadd.s32 @!p0 s3, s7;
	s7 =	simm.s32 @!p0 $0x108  }
0x21: {  	s3 =	sadd.s32 s3, s9;
	s6 =	sadd.s32 @!p0 $0x88, s6;
	s7 =	simm.s32 @p2 $0x1082  }
0x22: {  	[simem:s7], [sflag:s8] =	dma.local @!p0 [hbm:s6], $0xF7A  }
0x23: {  	s9 =	sor.u32 $0xD0000000, s2;
	s6 =	simm.s32 $0x108;
	_ =	swait.ge @!p0 [sflag:s8], $0x0  }
0x24: {  	s3 =	sadd.s32 $0x88, s3;
	s6 =	simm.s32 @!p1 $0x1082;
	[sflag:s4] =	ssyncset.s32 $0xFFFFF086  }
0x25: {  	[simem:s6], [sflag:s4] =	dma.local [hbm:s3], $0xF7A  }
0x26: {  	[smem:$0x3F9F] =	sst s1;
	(tag) =	ssettag s2;
	_ =	strace s9  }
0x27: {  	s1 =	sld [smem:$0x3FAF]  }
0x28: {  	s2 =	sld [smem:$0x3FB0]  }
0x29: {  	s4 =	sld [smem:$0x3FB2]  }
0x2a: {  	p0 =	seq.s32 s5, $0x0;
	s5 =	sld [smem:$0x3FB3]  }
0x2b: {  	s6 =	sld [smem:$0x3FB4]  }
0x2c: {  	s7 =	sld [smem:$0x3FB5]  }
0x2d: {  	s3 =	simm.s32 $0x108;
	s8 =	sld [smem:$0x3FB6]  }
0x2e: {  	s3 =	simm.s32 @!p0 $0x1082;
	s9 =	sld [smem:$0x3FB7]  }
0x2f: {  	lr =	sadd.s32 s0, s3;
	s0 =	sld [smem:$0x3FAE]  }
0x30: {  	s3 =	sld [smem:$0x3FB1]  }
0x31: {  	[smem:$0x3FBA] =	sst s10  }
0x32: {  	s10 =	sld [smem:$0x3FB8];
	_ =	sdelay $0x3  }
0x33: {  	p0 =	seq.s32 s10, $0x1;
	s10 =	sld [smem:$0x3FBA];
	_ =	sdelay $0x3  }
0x34: {  	[smem:$0x3FBA] =	sst s10  }
0x35: {  	s10 =	sld [smem:$0x3FB9];
	_ =	sdelay $0x3  }
0x36: {  	p1 =	seq.s32 s10, $0x1;
	s10 =	sld [smem:$0x3FBA];
	_ =	sdelay $0x3  }
0x37: {  	[smem:$0x3FBA] =	sst s10  }
0x38: {  	s10 =	sld [smem:$0x3FBB]  }
0x39: {  	_ = 	snop;
	(pc) =	sbr.ind lr, $3  }
0x3a: {  	_ = 	snop  }
0x3b: {  	_ = 	snop  }
0x3c: {  	p2 =	seq.s32 s10, $0x1;
	s10 =	sld [smem:$0x3FBA]  }
0x3d: {  	_ =	shalt  }
0x3e: {  	_ =	shalt  }
0x3f: {  	_ =	shalt  }
0x40: {  	_ =	shalt  }
0x41: {  	_ =	shalt  }
0x42: {  	_ =	shalt  }
0x43: {  	_ =	shalt  }
0x44: {  	_ =	shalt  }
0x45: {  	_ =	shalt  }
0x46: {  	_ =	shalt  }
0x47: {  	_ =	shalt  }
0x48: {  	_ =	shalt  }
0x49: {  	_ =	shalt  }
0x4a: {  	_ =	shalt  }
0x4b: {  	_ =	shalt  }
0x4c: {  	_ =	shalt  }
0x4d: {  	_ =	shalt  }
0x4e: {  	_ =	shalt  }
0x4f: {  	_ =	shalt  }
0x50: {  	_ =	shalt  }
0x51: {  	_ =	shalt  }
0x52: {  	_ =	shalt  }
0x53: {  	_ =	shalt  }
0x54: {  	_ =	shalt  }
0x55: {  	_ =	shalt  }
0x56: {  	_ =	shalt  }
0x57: {  	_ =	shalt  }
0x58: {  	_ =	shalt  }
0x59: {  	_ =	shalt  }
0x5a: {  	_ =	shalt  }
0x5b: {  	_ =	shalt  }
0x5c: {  	_ =	shalt  }
0x5d: {  	_ =	shalt  }
0x5e: {  	_ =	shalt  }
0x5f: {  	_ =	shalt  }
0x60: {  	_ =	shalt  }
0x61: {  	_ =	shalt  }
0x62: {  	_ =	shalt  }
0x63: {  	_ =	shalt  }
0x64: {  	_ =	shalt  }
0x65: {  	_ =	shalt  }
0x66: {  	_ =	shalt  }
0x67: {  	_ =	shalt  }
0x68: {  	_ =	shalt  }
0x69: {  	_ =	shalt  }
0x6a: {  	_ =	shalt  }
0x6b: {  	_ =	shalt  }
0x6c: {  	_ =	shalt  }
0x6d: {  	_ =	shalt  }
0x6e: {  	_ =	shalt  }
0x6f: {  	_ =	shalt  }
0x70: {  	_ =	shalt  }
0x71: {  	_ =	shalt  }
0x72: {  	_ =	shalt  }
0x73: {  	_ =	shalt  }
0x74: {  	_ =	shalt  }
0x75: {  	_ =	shalt  }
0x76: {  	_ =	shalt  }
0x77: {  	_ =	shalt  }
0x78: {  	_ =	shalt  }
0x79: {  	_ =	shalt  }
0x7a: {  	_ =	shalt  }
0x7b: {  	_ =	shalt  }
0x7c: {  	_ =	shalt  }
0x7d: {  	_ =	shalt  }
0x7e: {  	_ =	shalt  }
0x7f: {  	_ =	shalt  }
0x80: {  	_ =	shalt  }
0x81: {  	_ =	shalt  }
0x82: {  	_ =	shalt  }
0x83: {  	_ =	shalt  }
0x84: {  	_ =	shalt  }
0x85: {  	_ =	shalt  }
0x86: {  	_ =	shalt  }
0x87: {  	_ =	shalt  }
.Lfunc_end0:
.L_simem_size_0:
called_computation.1_lowered:
.L_overlay_start_0:
0x88: {  	s2 =	sld [smem:$0x3FD9]  }
0x89: {  	s3 =	sld [smem:$0x3FFE];
	_ =	sdelay $0x1  }
0x8a: {  	s1 =	srdreg.scid  }
0x8b: {  	s0 =	sand.u32 $0x1, s1  }
0x8c: {  	s17 =	sshll.u32 s0, $0xA;
	s2 =	sadd.s32 s3, s2  }
0x8d: {  	s2 =	sadd.s32 s2, s17  }
0x8e: {  	[smem:$0x3FC6] =	sst s2  }
0x8f: {  	_ = 	snop  }
0x90: {  	s2 =	sld [smem:$0x3FD0];
	(tm) =	ssettm $0x1  }
0x91: {  	s18 =	sld [smem:$0x3FFB];
	_ =	sdelay $0x3  }
0x92: {  	_ =	strace s18  }
0x93: {  	s3 =	sld [smem:$0x3FFC];
	_ =	sdelay $0x3  }
0x94: {  	_ =	strace s3  }
0x95: {  	s3 =	sld [smem:$0x3FFD];
	_ =	sdelay $0x3  }
0x96: {  	_ =	strace s3  }
0x97: {  	_ =	strace $0x8FFFFFFF  }
0x98: {  	s19 =	sld [smem:$0x3FDB];
	_ =	sdelay $0x1  }
0x99: {  	s4 =	simm.s32 $_scs_section_size  }
0x9a: {  	s5 =	simm.s32 $_size__tile_overlayer_lowered;
	s6 =	simm.s32 $_tile_overlayer_lowered  }
0x9b: {  	s22 =	simm.s32 $0x1BFF;
	s21 =	sshll.u32 s6, $0x1;
	s3 =	sadd.s32 s4, s19  }
0x9c: {  	s7 =	simm.s32 $0x0;
	s20 =	sshll.u32 s5, $0x1;
	s5 =	sadd.s32 s21, s3  }
0x9d: {  	[timem:s7], [sflag:s22] =	dma.local [hbm:s5], s20  }
0x9e: {  	_ =	swait.ge [sflag:s22], s20  }
0x9f: {  	s4 =	ssub.s32 $0x0, s20;
	[sflag:s22] =	ssyncset.done $0x0  }
0xa0: {  	[sflag:s22] =	ssyncadd.s32 s4;
	_ =	sdelay $0x1  }
0xa1: {  	s23 =	simm.s32 $0x1B8B  }
0xa2: {  	_ =	swait.ge [sflag:s23], $0x1  }
0xa3: {  	[sflag:s23] =	ssyncset.done $0x0  }
0xa4: {  	s25 =	simm.s32 $0x1B8E;
	s24 =	sld [smem:$0x3FFE];
	[sflag:s23] =	ssyncadd.s32 $0xFFFFFFFF  }
0xa5: {  	s26 =	simm.s32 $execute0_lowered;
	[smem:$0x3FD2] =	sst s25  }
0xa6: {  	s5 =	sshll.u32 s26, $0x1;
	_ =	strace $0x80000046;
	[dreg:$0x1] =	wrdreg $0xFFFFFFFF  }
0xa7: {  	s28 =	simm.s32 $_size_execute0_lowered;
	s3 =	sadd.s32 s3, s5;
	[dreg:$0x0] =	wrdreg $0x0  }
0xa8: {  	s5 =	sshll.u32 s28, $0x1;
	[dreg:$0x2] =	wrdreg s3  }
0xa9: {  	[dreg:$0x3] =	wrdreg s5  }
0xaa: {  	[dreg:$0x4] =	wrdreg $0xC0  }
0xab: {  	_ =	task [dreg:s7], $0x5FFFF  }
0xac: {  	[dreg:$0x1] =	wrdreg $0xFFFFFFFF  }
0xad: {  	[dreg:$0x0] =	wrdreg $0x60  }
0xae: {  	[dreg:$0x2] =	wrdreg s24  }
0xaf: {  	[dreg:$0x3] =	wrdreg s2  }
0xb0: {  	[dreg:$0x4] =	wrdreg $0x9  }
0xb1: {  	_ =	task.clear_ibuf [dreg:s7], $0x5FFFF;
	_ =	strace $0x90000046  }
0xb2: {  	s29 =	simm.s32 $0x9;
	_ =	strace $0x80000048  }
0xb3: {  	_ =	swait.ge [sflag:s29], $0x1  }
0xb4: {  	[sflag:s29] =	ssyncadd.s32 $0xFFFFFFFF  }
0xb5: {  	_ =	strace $0x90000048  }
0xb6: {  	_ =	sfence  }
0xb7: {  	s30 =	sld [smem:$0x0];
	_ =	sdelay $0x2  }
0xb8: {  	s31 =	sshll.u32 s1, $0xD;
	s1 =	sshrl.u32 s1, $0x2  }
0xb9: {  	s3 =	sand.u32 $0x4000, s31;
	s1 =	sadd.s32 s1, s30  }
0xba: {  	s0 =	sor.u32 s3, s0;
	s1 =	sshll.u32 s1, $0x11  }
0xbb: {  	s0 =	sor.u32 s1, s0  }
0xbc: {  	s0 =	sadd.s32 $0x8F2B, s0  }
0xbd: {  	[sflag:s0] =	ssyncadd.remote.s32 $0x1  }
0xbe: {  	_ =	sfence.sel $0xFFFF  }
0xbf: {  	[dreg:$0x0] =	wrdreg $0xFFFFFFFF;
	(pc) =	sbr.abs _section_cstart, $3  }
0xc0: {  	[dreg:$0x1] =	wrdreg $0xFFFFFFFF  }
0xc1: {  	_ =	task.clear_ibuf [dreg:s7], $0x2FFFF;
	_ =	strace $0x9FFFFFFF  }
0xc2: {  	(tm) =	ssettm $0x7FFFFFFF  }
0xc3: {  	_ =	shalt  }
tec
execute0_lowered:
.L_overlay_start_1:
0x0: {  	(tag) =	ssettag $0x1  }
0x1: {  	s0 =	srdreg.scid  }
0x2: {  	s6 =	stileid.u32;
	s1 =	rddreg [dreg:$0x0]  }
0x3: {  	s19 =	rddreg [dreg:$0x1];
	s3 =	simm.s32 $0x0;
	s28 =	simm.s32 $0x4  }
0x4: {  	s0 =	sand.u32 $0x1, s0;
	s2 =	sshll.u32 s6, $0x1;
	s6 =	smul.u32 $0x320000, s6  }
0x5: {  	s2 =	sor.u32 s0, s2;
	s24 =	ssub.s32 $0x2, s0;
	s0 =	smul.u32 $0x190000, s0  }
0x6: {  	s31 =	simm.s32 $0x5;
	[smem:$0x7FF] =	sst s3;
	s4 =	smul.u32 $0xC80, s2  }
0x7: {  	_ =	strace $0x80000047;
	s2 =	smul.u32 $0x190000, s2;
	s7 =	sshrl.u32 s24, $0x1  }
0x8: {  	s0 =	sadd.s32 s0, s6;
	s5 =	sadd.s32 s4, s1;
	s4 =	sadd.s32 $0xF42E00, s1  }
0x9: {  	s1 =	ssub.s32 s24, s7;
	s11 =	sor.u32 $0xE000, s0;
	s13 =	sor.u32 $0xC000, s0  }
0xa: {  	s15 =	sor.u32 $0xA000, s0;
	s17 =	sor.u32 $0x8000, s0;
	s20 =	sadd.s32 $0x16000, s0  }
0xb: {  	s22 =	sadd.s32 $0x14000, s0;
	s24 =	sadd.s32 $0x12000, s0;
	s0 =	sadd.s32 $0x10000, s0  }
0xc: {  	s2 =	sshrl.u32 s2, $0x3;
	s25 =	sadd.s32 $0xA00, s5;
	[dreg:$0x14] =	wrdreg s0  }
0xd: {  	s8 =	sadd.s32 s19, s2;
	s2 =	sshrl.u32 s11, $0x3;
	[dreg:$0xb] =	wrdreg s25  }
0xe: {  	s30 =	simm.s32 $0x1;
	s14 =	sshrl.u32 s13, $0x3;
	[dreg:$0x3] =	wrdreg s2  }
0xf: {  	s29 =	simm.s32 $0xC400;
	s16 =	sshrl.u32 s15, $0x3;
	[dreg:$0x4] =	wrdreg s14  }
0x10: {  	s6 =	simm.s32 $0x6;
	s18 =	sshrl.u32 s17, $0x3;
	[dreg:$0x5] =	wrdreg s16  }
0x11: {  	s21 =	sshrl.u32 s20, $0x3;
	s23 =	sshrl.u32 s22, $0x3;
	[dreg:$0x6] =	wrdreg s18  }
0x12: {  	s1 =	smax.u32 s1, $0x1;
	s17 =	simm.s32 $0x80;
	[dreg:$0x7] =	wrdreg s21  }
0x13: {  	s15 =	simm.s32 $0x6400;
	s22 =	simm.s32 $0x1;
	[dreg:$0xa] =	wrdreg s8  }
0x14: {  	s0 =	simm.s32 $0x3;
	s20 =	simm.s32 $0xA;
	[dreg:$0x8] =	wrdreg s23  }
0x15: {  	s11 =	simm.s32 $0xD;
	s26 =	sadd.s32 $0x400, s8;
	[dreg:$0x13] =	wrdreg s1  }
0x16: {  	s13 =	simm.s32 $0xF;
	s5 =	sadd.s32 $0x800, s8;
	[dreg:$0xc] =	wrdreg s26  }
0x17: {  	s7 =	sadd.s32 $0xC00, s8;
	s9 =	sadd.s32 $0x31000, s8;
	[dreg:$0xd] =	wrdreg s5  }
0x18: {  	s10 =	sadd.s32 $0x31400, s8;
	s12 =	sadd.s32 $0x31800, s8;
	[dreg:$0xe] =	wrdreg s7  }
0x19: {  	s25 =	sadd.s32 $0x31C00, s8;
	s16 =	simm.s32 $0x8400;
	[dreg:$0xf] =	wrdreg s9  }
0x1a: {  	s18 =	simm.s32 $0xA400;
	s8 =	simm.s32 $0x7;
	[dreg:$0x10] =	wrdreg s10  }
0x1b: {  	s14 =	simm.s32 $0x10;
	s1 =	simm.s32 $0x0;
	[dreg:$0x11] =	wrdreg s12  }
0x1c: {  	[dreg:$0x12] =	wrdreg s25;
	s26 =	sshrl.u32 s24, $0x3;
	s7 =	simm.s32 $0xB  }
0x1d: {  	s9 =	simm.s32 $0xC;
	s10 =	simm.s32 $0x8;
	s12 =	simm.s32 $0xE  }
0x1e: {  	s25 =	simm.s32 $0xA400;
	[dreg:$0x9] =	wrdreg s26;
	s26 =	simm.s32 $0x2  }
.LBB2_1:
0x1f: {  	[dreg:$0x15] =	wrdreg s1  }
0x20: {  	s2 =	rddreg [dreg:$0xb];
	s24 =	simm.s32 $0x11  }
0x21: {  	[tilespmem:s3], [sflag:$0x11] =	stream.linear.gather [hbm4b:s2+s3], $0x6400, $0x38;
	[tilespmem:$0x16400] =	vst v63  }
0x22: {  	_ =	swait.ge [sflag:s24], $0x6400  }
0x23: {  	[sflag:s24] =	ssyncset.done $0x0  }
0x24: {  	[sflag:s24] =	ssyncadd.s32 $0xFFFF9C00  }
0x25: {  	[tilespmem:s15], [sflag:$0x1] =	stream.indirect.gather [hbm4b:s4+s17], $0x40, s3, s17, $0xb8;
	[tilespmem:$0x16400] =	vst v63  }
0x26: {  	_ = 	snop  }
0x27: {  	[tilespmem:s16], [sflag:$0x2] =	stream.indirect.gather [hbm4b:s4+s17], $0x40, s17, s17, $0xb8;
	[tilespmem:$0x16400] =	vst v63  }
0x28: {  	s1 =	simm.s32 $0x100  }
0x29: {  	[tilespmem:s18], [sflag:$0x3] =	stream.indirect.gather [hbm4b:s4+s17], $0x40, s1, s17, $0xb8;
	[tilespmem:$0x16400] =	vst v63  }
0x2a: {  	s5 =	simm.s32 $0x180;
	s1 =	simm.s32 $0xC400  }
0x2b: {  	[tilespmem:s1], [sflag:$0x4] =	stream.indirect.gather [hbm4b:s4+s17], $0x40, s5, s17, $0xb8;
	[tilespmem:$0x16400] =	vst v63  }
0x2c: {  	s21 =	simm.s32 $0x200;
	s5 =	simm.s32 $0xE400  }
0x2d: {  	[tilespmem:s5], [sflag:$0x5] =	stream.indirect.gather [hbm4b:s4+s17], $0x40, s21, s17, $0xb8;
	[tilespmem:$0x16400] =	vst v63  }
0x2e: {  	_ =	swait.ge [sflag:s22], $0x2000  }
0x2f: {  	[sflag:s22] =	ssyncset.done $0x0  }
0x30: {  	s23 =	rddreg [dreg:$0xa];
	[sflag:s22] =	ssyncadd.s32 $0xFFFFE000  }
0x31: {  	[hbm4b:s23+s3] =	stream.linear.scatter [tilespmem:s15], [sflag:$0x9], $0x2000, $0x38;
	[tilespmem:$0x16400] =	vst v63  }
0x32: {  	s24 =	simm.s32 $0x280;
	s21 =	simm.s32 $0x10400  }
0x33: {  	[tilespmem:s21], [sflag:$0x6] =	stream.indirect.gather [hbm4b:s4+s17], $0x40, s24, s17, $0xb8;
	[tilespmem:$0x16400] =	vst v63  }
0x34: {  	_ =	swait.ge [sflag:s26], $0x2000  }
0x35: {  	[sflag:s26] =	ssyncset.done $0x0  }
0x36: {  	s23 =	rddreg [dreg:$0xc];
	[sflag:s26] =	ssyncadd.s32 $0xFFFFE000  }
0x37: {  	[hbm4b:s23+s3] =	stream.linear.scatter [tilespmem:s16], [sflag:$0xA], $0x2000, $0x38;
	[tilespmem:$0x16400] =	vst v63  }
0x38: {  	s24 =	simm.s32 $0x300;
	s23 =	simm.s32 $0x12400  }
0x39: {  	[tilespmem:s23], [sflag:$0x7] =	stream.indirect.gather [hbm4b:s4+s17], $0x40, s24, s17, $0xb8;
	[tilespmem:$0x16400] =	vst v63  }
0x3a: {  	_ =	swait.ge [sflag:s0], $0x2000  }
0x3b: {  	[sflag:s0] =	ssyncset.done $0x0  }
0x3c: {  	s24 =	rddreg [dreg:$0xd];
	[sflag:s0] =	ssyncadd.s32 $0xFFFFE000  }
0x3d: {  	[hbm4b:s24+s3] =	stream.linear.scatter [tilespmem:s18], [sflag:$0xB], $0x2000, $0x38;
	[tilespmem:$0x16400] =	vst v63  }
0x3e: {  	s2 =	simm.s32 $0x380;
	s24 =	simm.s32 $0x14400  }
0x3f: {  	[tilespmem:s24], [sflag:$0x8] =	stream.indirect.gather [hbm4b:s4+s17], $0x40, s2, s17, $0xb8;
	[tilespmem:$0x16400] =	vst v63  }
0x40: {  	_ =	swait.ge [sflag:s28], $0x2000  }
0x41: {  	[sflag:s28] =	ssyncset.done $0x0  }
0x42: {  	s2 =	rddreg [dreg:$0xe];
	[sflag:s28] =	ssyncadd.s32 $0xFFFFE000  }
0x43: {  	[hbm4b:s2+s3] =	stream.linear.scatter [tilespmem:s1], [sflag:$0xC], $0x2000, $0x38;
	[tilespmem:$0x16400] =	vst v63  }
0x44: {  	s2 =	simm.s32 $0x9  }
0x45: {  	_ =	swait.ge [sflag:s2], $0x2000  }
0x46: {  	[sflag:s2] =	ssyncset.done $0x0  }
0x47: {  	[sflag:s2] =	ssyncadd.s32 $0xFFFFE000;
	s2 =	simm.s32 $0x400  }
0x48: {  	[tilespmem:s15], [sflag:$0x1] =	stream.indirect.gather [hbm4b:s4+s17], $0x40, s2, s17, $0xb8;
	[tilespmem:$0x16400] =	vst v63  }
0x49: {  	_ =	swait.ge [sflag:s31], $0x2000  }
0x4a: {  	s2 =	rddreg [dreg:$0x6];
	[sflag:s31] =	ssyncset.done $0x0  }
0x4b: {  	[sflag:s31] =	ssyncadd.s32 $0xFFFFE000;
	s2 =	sadd.s32 s19, s2  }
0x4c: {  	[hbm4b:s2+s3] =	stream.linear.scatter [tilespmem:s5], [sflag:$0xD], $0x2000, $0x38;
	[tilespmem:$0x16400] =	vst v63  }
0x4d: {  	_ =	swait.ge [sflag:s20], $0x2000  }
0x4e: {  	[sflag:s20] =	ssyncset.done $0x0  }
0x4f: {  	s2 =	simm.s32 $0x480;
	[sflag:s20] =	ssyncadd.s32 $0xFFFFE000  }
0x50: {  	[tilespmem:s16], [sflag:$0x2] =	stream.indirect.gather [hbm4b:s4+s17], $0x40, s2, s17, $0xb8;
	[tilespmem:$0x16400] =	vst v63  }
0x51: {  	_ =	swait.ge [sflag:s6], $0x2000  }
0x52: {  	s2 =	rddreg [dreg:$0x5];
	[sflag:s6] =	ssyncset.done $0x0  }
0x53: {  	[sflag:s6] =	ssyncadd.s32 $0xFFFFE000;
	s2 =	sadd.s32 s19, s2  }
0x54: {  	[hbm4b:s2+s3] =	stream.linear.scatter [tilespmem:s21], [sflag:$0xE], $0x2000, $0x38;
	[tilespmem:$0x16400] =	vst v63  }
0x55: {  	_ =	swait.ge [sflag:s7], $0x2000  }
0x56: {  	[sflag:s7] =	ssyncset.done $0x0  }
0x57: {  	s2 =	simm.s32 $0x500;
	[sflag:s7] =	ssyncadd.s32 $0xFFFFE000  }
0x58: {  	[tilespmem:s18], [sflag:$0x3] =	stream.indirect.gather [hbm4b:s4+s17], $0x40, s2, s17, $0xb8;
	[tilespmem:$0x16400] =	vst v63  }
0x59: {  	_ =	swait.ge [sflag:s8], $0x2000  }
0x5a: {  	s2 =	rddreg [dreg:$0x4];
	[sflag:s8] =	ssyncset.done $0x0  }
0x5b: {  	[sflag:s8] =	ssyncadd.s32 $0xFFFFE000;
	s2 =	sadd.s32 s19, s2  }
0x5c: {  	[hbm4b:s2+s3] =	stream.linear.scatter [tilespmem:s23], [sflag:$0xF], $0x2000, $0x38;
	[tilespmem:$0x16400] =	vst v63  }
0x5d: {  	_ =	swait.ge [sflag:s9], $0x2000  }
0x5e: {  	[sflag:s9] =	ssyncset.done $0x0  }
0x5f: {  	s2 =	simm.s32 $0x580;
	[sflag:s9] =	ssyncadd.s32 $0xFFFFE000  }
0x60: {  	[tilespmem:s1], [sflag:$0x4] =	stream.indirect.gather [hbm4b:s4+s17], $0x40, s2, s17, $0xb8;
	[tilespmem:$0x16400] =	vst v63  }
0x61: {  	_ =	swait.ge [sflag:s10], $0x2000  }
0x62: {  	s1 =	rddreg [dreg:$0x3];
	[sflag:s10] =	ssyncset.done $0x0  }
0x63: {  	[sflag:s10] =	ssyncadd.s32 $0xFFFFE000;
	s2 =	sadd.s32 s19, s1  }
0x64: {  	[hbm4b:s2+s3] =	stream.linear.scatter [tilespmem:s24], [sflag:$0x10], $0x2000, $0x38;
	[tilespmem:$0x16400] =	vst v63  }
0x65: {  	_ =	swait.ge [sflag:s11], $0x2000  }
0x66: {  	[sflag:s11] =	ssyncset.done $0x0  }
0x67: {  	s1 =	simm.s32 $0x600;
	[sflag:s11] =	ssyncadd.s32 $0xFFFFE000  }
0x68: {  	[tilespmem:s5], [sflag:$0x5] =	stream.indirect.gather [hbm4b:s4+s17], $0x40, s1, s17, $0xb8;
	[tilespmem:$0x16400] =	vst v63  }
0x69: {  	_ =	swait.ge [sflag:s22], $0x2000  }
0x6a: {  	s5 =	rddreg [dreg:$0x14]  }
0x6b: {  	[sflag:s22] =	ssyncset.done $0x0;
	s1 =	sshrl.u32 s5, $0x3  }
0x6c: {  	[sflag:s22] =	ssyncadd.s32 $0xFFFFE000;
	s2 =	sadd.s32 s19, s1  }
0x6d: {  	[hbm4b:s2+s3] =	stream.linear.scatter [tilespmem:s15], [sflag:$0x9], $0x2000, $0x38;
	[tilespmem:$0x16400] =	vst v63  }
0x6e: {  	_ =	swait.ge [sflag:s12], $0x2000  }
0x6f: {  	[sflag:s12] =	ssyncset.done $0x0  }
0x70: {  	s1 =	simm.s32 $0x680;
	[sflag:s12] =	ssyncadd.s32 $0xFFFFE000  }
0x71: {  	[tilespmem:s21], [sflag:$0x6] =	stream.indirect.gather [hbm4b:s4+s17], $0x40, s1, s17, $0xb8;
	[tilespmem:$0x16400] =	vst v63  }
0x72: {  	_ =	swait.ge [sflag:s26], $0x2000  }
0x73: {  	s15 =	rddreg [dreg:$0x9];
	[sflag:s26] =	ssyncset.done $0x0  }
0x74: {  	[sflag:s26] =	ssyncadd.s32 $0xFFFFE000;
	s2 =	sadd.s32 s19, s15  }
0x75: {  	[hbm4b:s2+s3] =	stream.linear.scatter [tilespmem:s16], [sflag:$0xA], $0x2000, $0x38;
	[tilespmem:$0x16400] =	vst v63  }
0x76: {  	_ =	swait.ge [sflag:s13], $0x2000  }
0x77: {  	[sflag:s13] =	ssyncset.done $0x0  }
0x78: {  	s21 =	simm.s32 $0x700;
	[sflag:s13] =	ssyncadd.s32 $0xFFFFE000  }
0x79: {  	[tilespmem:s23], [sflag:$0x7] =	stream.indirect.gather [hbm4b:s4+s17], $0x40, s21, s17, $0xb8;
	[tilespmem:$0x16400] =	vst v63  }
0x7a: {  	_ =	swait.ge [sflag:s0], $0x2000  }
0x7b: {  	s22 =	rddreg [dreg:$0x8];
	[sflag:s0] =	ssyncset.done $0x0  }
0x7c: {  	[sflag:s0] =	ssyncadd.s32 $0xFFFFE000;
	s2 =	sadd.s32 s19, s22  }
0x7d: {  	[hbm4b:s2+s3] =	stream.linear.scatter [tilespmem:s18], [sflag:$0xB], $0x2000, $0x38;
	[tilespmem:$0x16400] =	vst v63  }
0x7e: {  	_ =	swait.ge [sflag:s14], $0x2000  }
0x7f: {  	[sflag:s14] =	ssyncset.done $0x0  }
0x80: {  	s5 =	sadd.s32 $0x10000, s5;
	s23 =	simm.s32 $0x780;
	[sflag:s14] =	ssyncadd.s32 $0xFFFFE000  }
0x81: {  	[tilespmem:s24], [sflag:$0x8] =	stream.indirect.gather [hbm4b:s4+s17], $0x40, s23, s17, $0xb8;
	[tilespmem:$0x16400] =	vst v63  }
0x82: {  	s15 =	sadd.s32 $0x2000, s19;
	s16 =	simm.s32 $0x1000;
	_ =	swait.ge [sflag:s28], $0x2000  }
0x83: {  	s21 =	simm.s32 $0x6400;
	s26 =	rddreg [dreg:$0x7];
	[sflag:s28] =	ssyncset.done $0x0  }
0x84: {  	s23 =	simm.s32 $0x8400;
	[sflag:s28] =	ssyncadd.s32 $0xFFFFE000;
	s2 =	sadd.s32 s19, s26  }
.LBB2_2:
0x85: {  	s1 =	simm.s32 $0xC400;
	s0 =	simm.s32 $0x9  }
0x86: {  	[hbm4b:s2+s3] =	stream.linear.scatter [tilespmem:s1], [sflag:$0xC], $0x2000, $0x38;
	[tilespmem:$0x16400] =	vst v63  }
0x87: {  	s22 =	smov.u32 s16;
	_ =	swait.ge [sflag:s0], $0x2000  }
0x88: {  	s2 =	sshra.s32 s22, $0x2;
	[sflag:s0] =	ssyncset.done $0x0  }
0x89: {  	s18 =	sadd.s32 $0x400, s2;
	[sflag:s0] =	ssyncadd.s32 $0xFFFFE000  }
0x8a: {  	[tilespmem:s21], [sflag:$0x1] =	stream.indirect.gather [hbm4b:s4+s17], $0x40, s18, s17, $0xb8;
	[tilespmem:$0x16400] =	vst v63  }
0x8b: {  	_ =	swait.ge [sflag:s31], $0x2000  }
0x8c: {  	s24 =	rddreg [dreg:$0x6];
	[sflag:s31] =	ssyncset.done $0x0  }
0x8d: {  	s22 =	simm.s32 $0xE400;
	[sflag:s31] =	ssyncadd.s32 $0xFFFFE000;
	s18 =	sadd.s32 s15, s24  }
0x8e: {  	[hbm4b:s18+s3] =	stream.linear.scatter [tilespmem:s22], [sflag:$0xD], $0x2000, $0x38;
	[tilespmem:$0x16400] =	vst v63  }
0x8f: {  	_ =	swait.ge [sflag:s20], $0x2000  }
0x90: {  	[sflag:s20] =	ssyncset.done $0x0  }
0x91: {  	s26 =	sadd.s32 $0x480, s2;
	[sflag:s20] =	ssyncadd.s32 $0xFFFFE000  }
0x92: {  	[tilespmem:s23], [sflag:$0x2] =	stream.indirect.gather [hbm4b:s4+s17], $0x40, s26, s17, $0xb8;
	[tilespmem:$0x16400] =	vst v63  }
0x93: {  	_ =	swait.ge [sflag:s6], $0x2000  }
0x94: {  	s0 =	rddreg [dreg:$0x5];
	[sflag:s6] =	ssyncset.done $0x0  }
0x95: {  	s26 =	simm.s32 $0x10400;
	[sflag:s6] =	ssyncadd.s32 $0xFFFFE000;
	s18 =	sadd.s32 s15, s0  }
0x96: {  	[hbm4b:s18+s3] =	stream.linear.scatter [tilespmem:s26], [sflag:$0xE], $0x2000, $0x38;
	[tilespmem:$0x16400] =	vst v63  }
0x97: {  	_ =	swait.ge [sflag:s7], $0x2000  }
0x98: {  	[sflag:s7] =	ssyncset.done $0x0  }
0x99: {  	s24 =	sadd.s32 $0x500, s2;
	[sflag:s7] =	ssyncadd.s32 $0xFFFFE000  }
0x9a: {  	[tilespmem:s25], [sflag:$0x3] =	stream.indirect.gather [hbm4b:s4+s17], $0x40, s24, s17, $0xb8;
	[tilespmem:$0x16400] =	vst v63  }
0x9b: {  	_ =	swait.ge [sflag:s8], $0x2000  }
0x9c: {  	s0 =	rddreg [dreg:$0x4];
	[sflag:s8] =	ssyncset.done $0x0  }
0x9d: {  	[sflag:s8] =	ssyncadd.s32 $0xFFFFE000;
	s18 =	sadd.s32 s15, s0;
	s0 =	simm.s32 $0x12400  }
0x9e: {  	[hbm4b:s18+s3] =	stream.linear.scatter [tilespmem:s0], [sflag:$0xF], $0x2000, $0x38;
	[tilespmem:$0x16400] =	vst v63  }
0x9f: {  	_ =	swait.ge [sflag:s9], $0x2000  }
0xa0: {  	[sflag:s9] =	ssyncset.done $0x0  }
0xa1: {  	s24 =	sadd.s32 $0x580, s2;
	[sflag:s9] =	ssyncadd.s32 $0xFFFFE000  }
0xa2: {  	[tilespmem:s1], [sflag:$0x4] =	stream.indirect.gather [hbm4b:s4+s17], $0x40, s24, s17, $0xb8;
	[tilespmem:$0x16400] =	vst v63  }
0xa3: {  	_ =	swait.ge [sflag:s10], $0x2000  }
0xa4: {  	s1 =	rddreg [dreg:$0x3];
	[sflag:s10] =	ssyncset.done $0x0  }
0xa5: {  	s28 =	simm.s32 $0x14400;
	[sflag:s10] =	ssyncadd.s32 $0xFFFFE000;
	s18 =	sadd.s32 s15, s1  }
0xa6: {  	[hbm4b:s18+s3] =	stream.linear.scatter [tilespmem:s28], [sflag:$0x10], $0x2000, $0x38;
	[tilespmem:$0x16400] =	vst v63  }
0xa7: {  	_ =	swait.ge [sflag:s11], $0x2000  }
0xa8: {  	[sflag:s11] =	ssyncset.done $0x0  }
0xa9: {  	s24 =	sadd.s32 $0x600, s2;
	[sflag:s11] =	ssyncadd.s32 $0xFFFFE000  }
0xaa: {  	[tilespmem:s22], [sflag:$0x5] =	stream.indirect.gather [hbm4b:s4+s17], $0x40, s24, s17, $0xb8;
	[tilespmem:$0x16400] =	vst v63  }
0xab: {  	_ =	swait.ge [sflag:s30], $0x2000  }
0xac: {  	s22 =	sshrl.u32 s5, $0x3;
	[sflag:s30] =	ssyncset.done $0x0  }
0xad: {  	s18 =	sadd.s32 s19, s22;
	[sflag:s30] =	ssyncadd.s32 $0xFFFFE000  }
0xae: {  	[hbm4b:s18+s3] =	stream.linear.scatter [tilespmem:s21], [sflag:$0x9], $0x2000, $0x38;
	[tilespmem:$0x16400] =	vst v63  }
0xaf: {  	_ =	swait.ge [sflag:s12], $0x2000  }
0xb0: {  	[sflag:s12] =	ssyncset.done $0x0  }
0xb1: {  	s24 =	sadd.s32 $0x680, s2;
	[sflag:s12] =	ssyncadd.s32 $0xFFFFE000  }
0xb2: {  	[tilespmem:s26], [sflag:$0x6] =	stream.indirect.gather [hbm4b:s4+s17], $0x40, s24, s17, $0xb8;
	[tilespmem:$0x16400] =	vst v63  }
0xb3: {  	s26 =	simm.s32 $0x2  }
0xb4: {  	_ =	swait.ge [sflag:s26], $0x2000  }
0xb5: {  	s24 =	rddreg [dreg:$0x9];
	[sflag:s26] =	ssyncset.done $0x0  }
0xb6: {  	[sflag:s26] =	ssyncadd.s32 $0xFFFFE000;
	s18 =	sadd.s32 s15, s24  }
0xb7: {  	[hbm4b:s18+s3] =	stream.linear.scatter [tilespmem:s23], [sflag:$0xA], $0x2000, $0x38;
	[tilespmem:$0x16400] =	vst v63  }
0xb8: {  	_ =	swait.ge [sflag:s13], $0x2000  }
0xb9: {  	[sflag:s13] =	ssyncset.done $0x0  }
0xba: {  	s18 =	sadd.s32 $0x700, s2;
	[sflag:s13] =	ssyncadd.s32 $0xFFFFE000  }
0xbb: {  	[tilespmem:s0], [sflag:$0x7] =	stream.indirect.gather [hbm4b:s4+s17], $0x40, s18, s17, $0xb8;
	[tilespmem:$0x16400] =	vst v63  }
0xbc: {  	s0 =	simm.s32 $0x3  }
0xbd: {  	_ =	swait.ge [sflag:s0], $0x2000  }
0xbe: {  	s18 =	rddreg [dreg:$0x8];
	[sflag:s0] =	ssyncset.done $0x0  }
0xbf: {  	[sflag:s0] =	ssyncadd.s32 $0xFFFFE000;
	s18 =	sadd.s32 s15, s18  }
0xc0: {  	[hbm4b:s18+s3] =	stream.linear.scatter [tilespmem:s25], [sflag:$0xB], $0x2000, $0x38;
	[tilespmem:$0x16400] =	vst v63  }
0xc1: {  	_ =	swait.ge [sflag:s14], $0x2000  }
0xc2: {  	[sflag:s14] =	ssyncset.done $0x0  }
0xc3: {  	p0 =	sne.s32 s16, $0x17000;
	s2 =	sadd.s32 $0x780, s2;
	[sflag:s14] =	ssyncadd.s32 $0xFFFFE000  }
0xc4: {  	[tilespmem:s28], [sflag:$0x8] =	stream.indirect.gather [hbm4b:s4+s17], $0x40, s2, s17, $0xb8;
	[tilespmem:$0x16400] =	vst v63  }
.Ltmp0:
0xc5: {  	s16 =	sadd.s32 $0x1000, s16;
	(pc) =	sbr.rel @p0 .LBB2_2-.Ltmp0, $4  }
0xc6: {  	s1 =	simm.s32 $0xE400;
	s5 =	sadd.s32 $0x10000, s5;
	s28 =	simm.s32 $0x4  }
0xc7: {  	s22 =	simm.s32 $0x10400;
	s24 =	simm.s32 $0x12400;
	_ =	swait.ge [sflag:s28], $0x2000  }
0xc8: {  	s18 =	simm.s32 $0x14400;
	[sflag:s28] =	ssyncset.done $0x0;
	s2 =	rddreg [dreg:$0x7]  }
0xc9: {  	[sflag:s28] =	ssyncadd.s32 $0xFFFFE000;
	s2 =	sadd.s32 s15, s2;
	s15 =	sadd.s32 $0x2000, s15  }
0xca: {  	[hbm4b:s2+s3] =	stream.linear.scatter [tilespmem:s29], [sflag:$0xC], $0x2000, $0x38;
	[tilespmem:$0x16400] =	vst v63  }
0xcb: {  	s5 =	simm.s32 $0x9  }
0xcc: {  	_ =	swait.ge [sflag:s5], $0x2000  }
0xcd: {  	[sflag:s5] =	ssyncset.done $0x0  }
0xce: {  	[sflag:s5] =	ssyncadd.s32 $0xFFFFE000  }
0xcf: {  	_ =	swait.ge [sflag:s31], $0x2000  }
0xd0: {  	[sflag:s31] =	ssyncset.done $0x0  }
0xd1: {  	s15 =	rddreg [dreg:$0xf];
	[sflag:s31] =	ssyncadd.s32 $0xFFFFE000  }
0xd2: {  	[hbm4b:s15+s3] =	stream.linear.scatter [tilespmem:s1], [sflag:$0xD], $0x2000, $0x38;
	[tilespmem:$0x16400] =	vst v63  }
0xd3: {  	_ =	swait.ge [sflag:s20], $0x2000  }
0xd4: {  	[sflag:s20] =	ssyncset.done $0x0  }
0xd5: {  	[sflag:s20] =	ssyncadd.s32 $0xFFFFE000  }
0xd6: {  	_ =	swait.ge [sflag:s6], $0x2000  }
0xd7: {  	[sflag:s6] =	ssyncset.done $0x0  }
0xd8: {  	s16 =	rddreg [dreg:$0x10];
	[sflag:s6] =	ssyncadd.s32 $0xFFFFE000  }
0xd9: {  	[hbm4b:s16+s3] =	stream.linear.scatter [tilespmem:s22], [sflag:$0xE], $0x2000, $0x38;
	[tilespmem:$0x16400] =	vst v63  }
0xda: {  	_ =	swait.ge [sflag:s7], $0x2000  }
0xdb: {  	[sflag:s7] =	ssyncset.done $0x0  }
0xdc: {  	[sflag:s7] =	ssyncadd.s32 $0xFFFFE000  }
0xdd: {  	_ =	swait.ge [sflag:s8], $0x2000  }
0xde: {  	[sflag:s8] =	ssyncset.done $0x0  }
0xdf: {  	s21 =	rddreg [dreg:$0x11];
	[sflag:s8] =	ssyncadd.s32 $0xFFFFE000  }
0xe0: {  	[hbm4b:s21+s3] =	stream.linear.scatter [tilespmem:s24], [sflag:$0xF], $0x2000, $0x38;
	[tilespmem:$0x16400] =	vst v63  }
0xe1: {  	_ =	swait.ge [sflag:s9], $0x2000  }
0xe2: {  	[sflag:s9] =	ssyncset.done $0x0  }
0xe3: {  	[sflag:s9] =	ssyncadd.s32 $0xFFFFE000  }
0xe4: {  	_ =	swait.ge [sflag:s10], $0x2000  }
0xe5: {  	[sflag:s10] =	ssyncset.done $0x0  }
0xe6: {  	s22 =	rddreg [dreg:$0x12];
	[sflag:s10] =	ssyncadd.s32 $0xFFFFE000  }
0xe7: {  	[hbm4b:s22+s3] =	stream.linear.scatter [tilespmem:s18], [sflag:$0x10], $0x2000, $0x38;
	[tilespmem:$0x16400] =	vst v63  }
0xe8: {  	_ =	swait.ge [sflag:s11], $0x2000  }
0xe9: {  	[sflag:s11] =	ssyncset.done $0x0  }
0xea: {  	[sflag:s11] =	ssyncadd.s32 $0xFFFFE000  }
0xeb: {  	_ =	swait.ge [sflag:s12], $0x2000  }
0xec: {  	[sflag:s12] =	ssyncset.done $0x0  }
0xed: {  	[sflag:s12] =	ssyncadd.s32 $0xFFFFE000  }
0xee: {  	_ =	swait.ge [sflag:s13], $0x2000  }
0xef: {  	[sflag:s13] =	ssyncset.done $0x0  }
0xf0: {  	[sflag:s13] =	ssyncadd.s32 $0xFFFFE000  }
0xf1: {  	_ =	swait.ge [sflag:s14], $0x2000  }
0xf2: {  	s23 =	rddreg [dreg:$0x15]  }
0xf3: {  	s24 =	rddreg [dreg:$0x13];
	s1 =	sadd.s32 $0x1, s23  }
0xf4: {  	p0 =	sne.s32 s1, s24  }
.Ltmp1:
0xf5: {  	_ = 	snop;
	(pc) =	sbr.rel @p0 .LBB2_1-.Ltmp1, $3  }
0xf6: {  	_ =	sdelay $0x1  }
0xf7: {  	s15 =	simm.s32 $0x6400;
	s16 =	simm.s32 $0x8400;
	[sflag:s14] =	ssyncset.done $0x0  }
0xf8: {  	s18 =	simm.s32 $0xA400;
	s22 =	simm.s32 $0x1;
	[sflag:s14] =	ssyncadd.s32 $0xFFFFE000  }
0xf9: {  	_ =	sfence.sel $0x180000  }
0xfa: {  	[bflag:$0x0] =	sbarrier.arrive $0xFFFF  }
0xfb: {  	_ =	strace $0x90000047  }
0xfc: {  	s0 =	stileid.u32;
	[bflag:$0x2] =	sbarrier.arrive $0xFFFF  }
0xfd: {  	p0 =	sne.s32 s0, $0x0;
	s0 =	rddreg [dreg:$0x2]  }
0xfe: {  	s0 =	sadd.s32 @!p0 $0x100000, s0  }
0xff: {  	[sflag:s0] =	ssyncadd.tile.s32 @!p0 $0x1;
	_ =	shalt  }
.Lfunc_end2:
_tile_overlayer_lowered:
.L_overlay_start_2:
0x100: {  	(tag) =	ssettag $0x2  }
0x101: {  	s0 =	rddreg [dreg:$0x0];
	s2 =	stileid.u32  }
0x102: {  	s1 =	rddreg [dreg:$0x1];
	p0 =	sne.s32 s2, $0x0  }
0x103: {  	s3 =	rddreg [dreg:$0x2];
	[bflag:$0x3] =	sbarrier.arrive $0xFFFF;
	s2 =	simm.s32 @!p0 $0x1C11  }
0x104: {  	[timem:s3], [sflag:s2] =	dma.local @!p0 [hbm:s0], s1  }
0x105: {  	s0 =	simm.s32 @!p0 $0x11  }
0x106: {  	_ =	swait.ge @!p0 [sflag:s0], s1  }
0x107: {  	s1 =	ssub.s32 @!p0 $0x0, s1;
	[sflag:s0] =	ssyncset.done @!p0 $0x0  }
0x108: {  	[sflag:s0] =	ssyncadd.s32 @!p0 s1  }
0x109: {  	[bflag:$0x3] =	sbarrier.arrive $0xFFFF  }
0x10a: {  	_ =	shalt  }

// kernel: sparse-core-data-format-call.cloned.1.call-start
scs
called_computation_lowered:
.L_overlay_start_0:
0x0: {  	s2 =	sld [smem:$0x3FD9]  }
0x1: {  	s3 =	sld [smem:$0x3FFE];
	_ =	sdelay $0x1  }
0x2: {  	s1 =	srdreg.scid  }
0x3: {  	s0 =	sand.u32 $0x1, s1  }
0x4: {  	s18 =	sshll.u32 s0, $0xA;
	s2 =	sadd.s32 s3, s2  }
0x5: {  	s2 =	sadd.s32 s2, s18  }
0x6: {  	[smem:$0x3FC6] =	sst s2  }
0x7: {  	_ = 	snop  }
0x8: {  	s2 =	sld [smem:$0x3FD0];
	(tm) =	ssettm $0x1  }
0x9: {  	s19 =	sld [smem:$0x3FFB];
	_ =	sdelay $0x3  }
0xa: {  	_ =	strace s19  }
0xb: {  	s3 =	sld [smem:$0x3FFC];
	_ =	sdelay $0x3  }
0xc: {  	_ =	strace s3  }
0xd: {  	s3 =	sld [smem:$0x3FFD];
	_ =	sdelay $0x3  }
0xe: {  	_ =	strace s3  }
0xf: {  	_ =	strace $0x8FFFFFFF  }
0x10: {  	s20 =	sld [smem:$0x3FDB];
	_ =	sdelay $0x1  }
0x11: {  	s4 =	simm.s32 $_scs_section_size  }
0x12: {  	s5 =	simm.s32 $_size__tile_overlayer_lowered;
	s6 =	simm.s32 $_tile_overlayer_lowered  }
0x13: {  	s23 =	simm.s32 $0x1BFF;
	s22 =	sshll.u32 s6, $0x1;
	s3 =	sadd.s32 s4, s20  }
0x14: {  	s7 =	simm.s32 $0x0;
	s21 =	sshll.u32 s5, $0x1;
	s5 =	sadd.s32 s22, s3  }
0x15: {  	[timem:s7], [sflag:s23] =	dma.local [hbm:s5], s21  }
0x16: {  	_ =	swait.ge [sflag:s23], s21  }
0x17: {  	s4 =	ssub.s32 $0x0, s21;
	[sflag:s23] =	ssyncset.done $0x0  }
0x18: {  	[sflag:s23] =	ssyncadd.s32 s4;
	_ =	sdelay $0x1  }
0x19: {  	s24 =	simm.s32 $0x1B8B  }
0x1a: {  	_ =	swait.ge [sflag:s24], $0x1  }
0x1b: {  	[sflag:s24] =	ssyncset.done $0x0  }
0x1c: {  	s26 =	simm.s32 $0x1B8E;
	s25 =	sld [smem:$0x3FFE];
	[sflag:s24] =	ssyncadd.s32 $0xFFFFFFFF  }
0x1d: {  	s27 =	simm.s32 $execute0_lowered;
	[smem:$0x3FD2] =	sst s26  }
0x1e: {  	s5 =	sshll.u32 s27, $0x1;
	_ =	strace $0x80000049;
	[dreg:$0x1] =	wrdreg $0xFFFFFFFF  }
0x1f: {  	s28 =	simm.s32 $_size_execute0_lowered;
	s3 =	sadd.s32 s3, s5;
	[dreg:$0x0] =	wrdreg $0x0  }
0x20: {  	s5 =	sshll.u32 s28, $0x1;
	[dreg:$0x2] =	wrdreg s3  }
0x21: {  	[dreg:$0x3] =	wrdreg s5  }
0x22: {  	[dreg:$0x4] =	wrdreg $0xC0  }
0x23: {  	_ =	task [dreg:s7], $0x5FFFF  }
0x24: {  	[dreg:$0x1] =	wrdreg $0xFFFFFFFF  }
0x25: {  	[dreg:$0x0] =	wrdreg $0x60  }
0x26: {  	[dreg:$0x2] =	wrdreg s25  }
0x27: {  	[dreg:$0x3] =	wrdreg s2  }
0x28: {  	[dreg:$0x4] =	wrdreg $0x9  }
0x29: {  	_ =	task.clear_ibuf [dreg:s7], $0x5FFFF;
	_ =	strace $0x90000049  }
0x2a: {  	s29 =	simm.s32 $0x9;
	_ =	strace $0x8000004B  }
0x2b: {  	_ =	swait.ge [sflag:s29], $0x1  }
0x2c: {  	[sflag:s29] =	ssyncadd.s32 $0xFFFFFFFF  }
0x2d: {  	_ =	strace $0x9000004B  }
0x2e: {  	_ =	sfence  }
0x2f: {  	s30 =	sld [smem:$0x0];
	_ =	sdelay $0x2  }
0x30: {  	s31 =	sshll.u32 s1, $0xD;
	s1 =	sshrl.u32 s1, $0x2  }
0x31: {  	s3 =	sand.u32 $0x4000, s31;
	s1 =	sadd.s32 s1, s30  }
0x32: {  	s0 =	sor.u32 s3, s0;
	s1 =	sshll.u32 s1, $0x11  }
0x33: {  	s0 =	sor.u32 s1, s0  }
0x34: {  	s0 =	sadd.s32 $0x8F2B, s0  }
0x35: {  	[sflag:s0] =	ssyncadd.remote.s32 $0x1  }
0x36: {  	_ =	sfence.sel $0xFFFF  }
0x37: {  	[dreg:$0x0] =	wrdreg $0xFFFFFFFF;
	(pc) =	sbr.abs _section_cstart, $3  }
0x38: {  	[dreg:$0x1] =	wrdreg $0xFFFFFFFF  }
0x39: {  	_ =	task.clear_ibuf [dreg:s7], $0x2FFFF;
	_ =	strace $0x9FFFFFFF  }
0x3a: {  	(tm) =	ssettm $0x7FFFFFFF  }
0x3b: {  	_ =	shalt  }
tec
execute0_lowered:
.L_overlay_start_1:
0x0: {  	(tag) =	ssettag $0x1  }
0x1: {  	s0 =	srdreg.scid  }
0x2: {  	s1 =	sshll.u32 s0, $0x4  }
0x3: {  	s0 =	stileid.u32;
	s1 =	sand.u32 $0x10, s1  }
0x4: {  	s1 =	sor.u32 s0, s1  }
0x5: {  	s6 =	rddreg [dreg:$0x0];
	s4 =	simm.s32 $0x1;
	s2 =	sshll.u32 s1, $0x7  }
0x6: {  	s7 =	simm.s32 $0x2;
	s12 =	simm.s32 $0x0;
	s1 =	ssub.s32 $0x1000, s2  }
0x7: {  	s8 =	simm.s32 $0x8000;
	s13 =	simm.s32 $0x0;
	s3 =	sand.u32 $0xF80, s1  }
0x8: {  	s9 =	simm.s32 $0x0;
	s5 =	sshrl.u32 s1, $0xC;
	p0 =	sne.s32 s3, $0x0  }
.Ltmp0:
0x9: {  	s1 =	rddreg [dreg:$0x2];
	s4 =	simm.s32 @!p0 $0x0;
	(pc) =	sbr.rel .LBB1_1-.Ltmp0, $4  }
0xa: {  	s11 =	simm.s32 $0x0;
	s3 =	rddreg [dreg:$0x1];
	s5 =	sadd.s32 s4, s5  }
0xb: {  	_ =	strace $0x8000004A;
	s4 =	simm.s32 $0x1;
	s5 =	smul.u32 $0xC8, s5  }
0xc: {  	s6 =	sadd.s32 $0xA00, s6;
	s10 =	smov.u32 s2;
	[sflag:s4] =	ssyncpa.u1 $0x0  }
0xd: {  	p0 =	por $0x0, $0x0;
	[sflag:s7] =	ssyncpa.u1 $0x0;
	s7 =	sor.u32 $0x1, s5  }
.LBB1_4:
0xe: {  	s16 =	sshll.u32 s13, $0x3;
	s17 =	sand.u32 $0x78, s13  }
0xf: {  	s30 =	sand.u32 $0x7E00, s13;
	s12 =	sshll.u32 s12, $0xF;
	s16 =	sand.u32 $0xC00, s16  }
0x10: {  	[tilespmem:s15+$0x810 ss:$0x81] =	vst.msk $0xffff, v2;
	s31 =	sand.u32 $0x7, s13;
	s16 =	sor.u32 s17, s16;
	s17 =	sadd.s32 s3, s30  }
0x11: {  	[tilespmem:s15+$0x1020 ss:$0x81] =	vst.msk $0xffff, v0;
	s13 =	sshll.u32 s31, $0x12;
	s12 =	sadd.s32 s12, s17;
	s16 =	sshrl.u32 s16, $0x3  }
0x12: {  	[tilespmem:s15+$0x0 ss:$0x81] =	vst.msk $0xffff, v1;
	s13 =	sor.u32 $0x400, s13;
	s12 =	sadd.s32 s16, s12  }
0x13: {  	[hbm4b:s12+s13] =	stream.strided.scatter [tilespmem:s14], [sflag:$0x2], $0x2000, s8, s13, $0x20;
	[tilespmem:$0x8080] =	vst v63  }
.LBB1_5:
0x14: {  	s14 =	sadd.s32 $0x1, s9  }
0x15: {  	s12 =	sadd.s32 $0x1000, s10;
	s16 =	smov.u32 s10;
	p2 =	sgt.s32 s14, $0xC7  }
0x16: {  	s16 =	smov.u32 @p2 s12  }
0x17: {  	s14 =	simm.s32 @p2 $0x0;
	p2 =	sgt.s32 s16, $0xFFF  }
0x18: {  	s16 =	smov.u32 @p2 s2;
	p2 =	sne.s32 s11, s7  }
.Ltmp1:
0x19: {  	p1 =	slt.u32 s11, $0x2;
	(pc) =	sbr.rel @!p2 .LBB1_6-.Ltmp1, $4  }
0x1a: {  	s15 =	simm.s32 @!p1 $0x2  }
0x1b: {  	s13 =	smov.u32 s10;
	p0 =	por !p0, !p0;
	_ =	swait.ge @!p1 [sflag:s15], $0x2000  }
0x1c: {  	s12 =	smov.u32 s9;
	[sflag:s15] =	ssyncset.done @!p1 $0x0;
	s9 =	smov.u32 s14  }
0x1d: {  	s11 =	sadd.s32 $0x1, s11;
	[sflag:s15] =	ssyncadd.s32 @!p1 $0xFFFFE000;
	s10 =	smov.u32 s16  }
.LBB1_1:
0x1e: {  	p1 =	sge.u32 s11, s5  }
0x1f: {  	s14 =	sand.u32 @!p1 $0x1FFFFFF, s9  }
0x20: {  	s15 =	smulhi.u32 @!p1 $0x147AE15, s14;
	_ =	sdelay $0x1  }
0x21: {  	s15 =	smul.u32 @!p1 $0xC8, s15  }
0x22: {  	s16 =	sxor.u32 @!p1 $0xFFFFFFFF, s11;
	s17 =	smul.u32 @!p1 $0xC80, s10  }
0x23: {  	s31 =	sadd.s32 $0xFFFFFFFF, s11;
	s16 =	sshll.u32 @!p1 s16, $0xD;
	s14 =	ssub.s32 @!p1 s14, s15  }
0x24: {  	s15 =	sand.u32 @!p1 $0x2000, s16;
	s16 =	sadd.s32 @!p1 s6, s17;
	s14 =	sshll.u32 @!p1 s14, $0x4  }
0x25: {  	s17 =	simm.s32 @!p1 $0x6400;
	s14 =	sadd.s32 @!p1 s14, s16;
	s16 =	simm.s32 @!p1 $0x40  }
0x26: {  	[tilespmem:s15], [sflag:$0x1] =	stream.strided.gather @!p1 [hbm4b:s14+s16], $0x2000, s17, s16, $0x38;
	[tilespmem:$0x8080] =	vst v63  }
0x27: {  	p1 =	sge.u32 s31, s5  }
.Ltmp2:
0x28: {  	_ = 	snop;
	(pc) =	sbr.rel @p1 .LBB1_5-.Ltmp2, $1  }
0x29: {  	_ =	sdelay $0x3  }
0x2a: {  	s14 =	simm.s32 $0x1  }
0x2b: {  	_ =	swait.ge [sflag:s4], $0x2000;
	s14 =	simm.s32 @!p0 $0x0  }
0x2c: {  	[sflag:s4] =	ssyncset.done $0x0;
	s15 =	sshll.u32 s14, $0xD  }
0x2d: {  	[sflag:s4] =	ssyncadd.s32 $0xFFFFE000;
	s18 =	sor.u32 $0x20, s15  }
0x2e: {  	s14 =	smul.u32 $0x8100, s14;
	v3 =	vld [tilespmem:s18+$0x10]  }
0x2f: {  	s30 =	sand.u32 $0x1, s11;
	v2 =	vld [tilespmem:s18+$0xFFFFFFF0]  }
0x30: {  	s15 =	smul.u32 $0x8100, s30;
	s14 =	sshrl.u32 s14, $0x2;
	v0 =	vld [tilespmem:s18+$0x0]  }
0x31: {  	v1 =	vld [tilespmem:s18+$0xFFFFFFE0];
	s16 =	sor.u32 $0x4000, s14  }
0x32: {  	s31 =	sshrl.u32 s15, $0x2;
	s15 =	sadd.s32 $0x0, s16  }
0x33: {  	s17 =	simm.s32 $0x4;
	s18 =	sadd.s32 $0x40, s18;
	s14 =	sor.u32 $0x4000, s31;
	[tilespmem:s15+$0x1830 ss:$0x81] =	vst.msk $0xffff, v3  }
.LBB1_3:
0x34: {  	v3 =	vld [tilespmem:s18+$0x10];
	p1 =	sne.s32 s17, $0x1FC;
	[tilespmem:s15+$0x810 ss:$0x81] =	vst.msk $0xffff, v2;
	s19 =	smov.u32 s17;
	s17 =	sadd.s32 $0x4, s17  }
.Ltmp3:
0x35: {  	v2 =	vld [tilespmem:s18+$0xFFFFFFF0];
	[tilespmem:s15+$0x1020 ss:$0x81] =	vst.msk $0xffff, v0;
	(pc) =	sbr.rel @p1 .LBB1_3-.Ltmp3, $4  }
0x36: {  	v0 =	vld [tilespmem:s18+$0x0];
	[tilespmem:s15+$0x0 ss:$0x81] =	vst.msk $0xffff, v1  }
0x37: {  	s15 =	sshra.s32 s19, $0x2;
	v1 =	vld [tilespmem:s18+$0xFFFFFFE0]  }
0x38: {  	s15 =	sadd.s32 s15, s16  }
0x39: {  	s18 =	sadd.s32 $0x40, s18;
	[tilespmem:s15+$0x1830 ss:$0x81] =	vst.msk $0xffff, v3  }
.Ltmp4:
0x3a: {  	_ = 	snop;
	(pc) =	sbr.rel .LBB1_4-.Ltmp4, $1  }
0x3b: {  	_ =	sdelay $0x3  }
.LBB1_6:
0x3c: {  	_ =	sfence.sel $0x180000  }
0x3d: {  	s2 =	simm.s32 $0x1;
	[bflag:$0x0] =	sbarrier.arrive $0xFFFF  }
0x3e: {  	s31 =	simm.s32 $0x2;
	[sflag:s2] =	ssyncpa.u1 $0x1  }
0x3f: {  	[sflag:s31] =	ssyncpa.u1 $0x1  }
0x40: {  	p0 =	sne.s32 s0, $0x0;
	_ =	strace $0x9000004A  }
0x41: {  	s0 =	sadd.s32 @!p0 $0x100000, s1;
	[bflag:$0x2] =	sbarrier.arrive $0xFFFF  }
0x42: {  	[sflag:s0] =	ssyncadd.tile.s32 @!p0 $0x1;
	_ =	shalt  }
.Lfunc_end1:
_tile_overlayer_lowered:
.L_overlay_start_2:
0x43: {  	(tag) =	ssettag $0x2  }
0x44: {  	s0 =	rddreg [dreg:$0x0];
	s2 =	stileid.u32  }
0x45: {  	s1 =	rddreg [dreg:$0x1];
	p0 =	sne.s32 s2, $0x0  }
0x46: {  	s3 =	rddreg [dreg:$0x2];
	[bflag:$0x3] =	sbarrier.arrive $0xFFFF;
	s2 =	simm.s32 @!p0 $0x1C01  }
0x47: {  	[timem:s3], [sflag:s2] =	dma.local @!p0 [hbm:s0], s1  }
0x48: {  	s0 =	simm.s32 @!p0 $0x1  }
0x49: {  	_ =	swait.ge @!p0 [sflag:s0], s1  }
0x4a: {  	s1 =	ssub.s32 @!p0 $0x0, s1;
	[sflag:s0] =	ssyncset.done @!p0 $0x0  }
0x4b: {  	[sflag:s0] =	ssyncadd.s32 @!p0 s1  }
0x4c: {  	[bflag:$0x3] =	sbarrier.arrive $0xFFFF  }
0x4d: {  	_ =	shalt  }

</sc_bundles>
